<compile_context>
chip_gen: v7x
topology: tpu7x:2x2x1
jax: 0.10.2.dev20260603
libtpu: 0.0.44.dev20260713+nightly
codegen_flags: <defaults>
</compile_context>

<pallas_src>
import functools

import jax
import jax.numpy as jnp
from jax import lax
from jax.experimental import pallas as pl
from jax.experimental.pallas import tpu as pltpu
from jax.experimental.pallas import tpu_sc as plsc

NS_TOT = 1600000
OUT = 100000
PAD = 100352
NC, NSUB, L = 2, 16, 16
NW = NC * NSUB
ROWS = NS_TOT // 128
RPT = ROWS // NW
EXTRA = ROWS - RPT * NW
FULL_CHUNKS = 24
TAIL_HI = RPT + 1 - FULL_CHUNKS * 16
TAIL_LO = RPT - FULL_CHUNKS * 16
SLICE = PAD // NSUB
EPS = 1e-7


def _sc_partials(att, idx):
    mesh = plsc.VectorSubcoreMesh(core_axis_name="c", subcore_axis_name="s")

    @functools.partial(
        pl.kernel,
        out_type=jax.ShapeDtypeStruct((NC, PAD), jnp.float32),
        mesh=mesh,
        compiler_params=pltpu.CompilerParams(
            needs_layout_passes=False, use_tc_tiling_on_sc=False),
        scratch_types=[
            pltpu.VMEM((2, 16, 128), jnp.int32),
            pltpu.VMEM((2, 16, 128), jnp.float32),
            pltpu.VMEM((SLICE,), jnp.float32),
            pltpu.VMEM_SHARED((PAD,), jnp.float32),
            pltpu.SemaphoreType.DMA,
            pltpu.SemaphoreType.DMA,
        ],
    )
    def k(att_hbm, idx_hbm, out_hbm, ib, vb, zb, shared, sem_in, sem_sc):
        c = lax.axis_index("c")
        s = lax.axis_index("s")
        wid = c * NSUB + s
        zeros16 = jnp.zeros((L,), jnp.float32)

        def zg(g, _):
            zb[pl.ds(g * L, L)] = zeros16
            return _
        lax.fori_loop(0, SLICE // L, zg, None)
        off = pl.multiple_of(s * SLICE, 8)
        pltpu.sync_copy(zb, shared.at[pl.ds(off, SLICE)])
        plsc.subcore_barrier()

        base_row = wid * RPT + jnp.minimum(wid, EXTRA)

        def fire_loads(row0, p):
            rsl = pl.ds(row0, 16)
            pltpu.async_copy(idx_hbm.at[rsl], ib.at[p], sem_in)
            pltpu.async_copy(att_hbm.at[rsl], vb.at[p], sem_in)

        def wait_chunk():
            pltpu.make_async_copy(
                idx_hbm.at[pl.ds(0, 16)], ib.at[0], sem_in).wait()
            pltpu.make_async_copy(
                att_hbm.at[pl.ds(0, 16)], vb.at[0], sem_in).wait()

        def scatter(p, nrows):
            cps = [
                pltpu.async_copy(
                    vb.at[p, jj], shared.at[ib.at[p, jj]], sem_sc, add=True)
                for jj in range(nrows)
            ]
            for cp in cps:
                cp.wait()

        fire_loads(base_row, 0)

        def loop(kk, _):
            p = lax.rem(kk, 2)
            wait_chunk()

            @pl.when(kk + 1 < FULL_CHUNKS)
            def _():
                fire_loads(base_row + (kk + 1) * 16, lax.rem(kk + 1, 2))

            scatter(p, 16)
            return _
        lax.fori_loop(0, FULL_CHUNKS, loop, None)

        tail_row = base_row + FULL_CHUNKS * 16

        @pl.when(wid < EXTRA)
        def _():
            tsl = pl.ds(tail_row, TAIL_HI)
            pltpu.sync_copy(idx_hbm.at[tsl], ib.at[0, pl.ds(0, TAIL_HI)])
            pltpu.sync_copy(att_hbm.at[tsl], vb.at[0, pl.ds(0, TAIL_HI)])
            scatter(0, TAIL_HI)

        @pl.when(wid >= EXTRA)
        def _():
            tsl = pl.ds(tail_row, TAIL_LO)
            pltpu.sync_copy(idx_hbm.at[tsl], ib.at[0, pl.ds(0, TAIL_LO)])
            pltpu.sync_copy(att_hbm.at[tsl], vb.at[0, pl.ds(0, TAIL_LO)])
            scatter(0, TAIL_LO)

        plsc.subcore_barrier()
        pltpu.sync_copy(shared.at[pl.ds(off, SLICE)],
                        out_hbm.at[c, pl.ds(off, SLICE)])

    return k(att, idx)


def _tc_merge(p):
    def body(p_ref, o_ref):
        o_ref[...] = p_ref[0] + p_ref[1]

    return pl.pallas_call(
        body,
        out_shape=jax.ShapeDtypeStruct((PAD // 128, 128), jnp.float32),
    )(p)


def kernel(weights, ray_indices, num_rays, distances):
    att = (weights / (distances + jnp.float32(EPS))).reshape(ROWS, 128)
    idx = ray_indices.reshape(ROWS, 128)
    partials = _sc_partials(att, idx)
    merged = _tc_merge(partials.reshape(NC, PAD // 128, 128))
    return merged.reshape(PAD)[:OUT][:, None]

# --- scband reference (transcript-rebuilt; emitter-appended) ---
"""Pipeline reference for scband-accumulation-renderer-70755291234860 (READ-ONLY COPY).

The authoritative reference and input builder live on the scoring server;
editing this copy changes nothing except your own understanding.
"""

import jax, jax.numpy as jnp
import numpy as np

NUM_SAMPLES = 1600000
NUM_RAYS = 100000


def setup_inputs(seed: int = 0) -> dict:
    key = jax.random.key(seed)
    k1, k2, k3 = jax.random.split(key, 3)
    weights = jax.random.uniform(k1, (NUM_SAMPLES, 1), dtype=jnp.float32)
    ray_indices = jnp.sort(
        jax.random.randint(k2, (NUM_SAMPLES,), 0, NUM_RAYS, dtype=jnp.int32)
    )
    distances = jax.random.uniform(k3, (NUM_SAMPLES, 1), dtype=jnp.float32)
    return {
        "weights": weights,
        "ray_indices": ray_indices,
        "num_rays": NUM_RAYS,
        "distances": distances,
    }


def reference(weights, ray_indices, num_rays, distances):
    # AccumulationRenderer.forward with packed samples + distance attenuation.
    epsilon = jnp.asarray(1e-07, dtype=distances.dtype)
    attenuated_weights = weights / (distances + epsilon)
    # nerfacc.accumulate_along_rays(w[..., 0], values=None, ray_indices, n_rays)
    # == segment-sum of per-sample scalar weights into per-ray accumulation [n_rays, 1]
    ray_indices = jnp.minimum(ray_indices, num_rays - 1)
    accumulation = jax.ops.segment_sum(
        attenuated_weights[..., 0], ray_indices, num_segments=NUM_RAYS
    )
    return accumulation[..., None]

if __name__ == "__main__":
    import jax
    _d = setup_inputs()
    print(jax.jit(kernel)(*tuple(_d.values())))

</pallas_src>

<mosaic_0001>
#map = affine_map<(d0, d1) -> (0, 0)>
module attributes {stable_mosaic.version = 14 : i64} {
  func.func @k(%arg0: i32, %arg1: i32, %arg2: memref<12500x128xf32, #tpu.memory_space<hbm>>, %arg3: memref<12500x128xi32, #tpu.memory_space<hbm>>, %arg4: memref<2x100352xf32, #tpu.memory_space<hbm>>, %arg5: memref<2x16x128xi32, #tpu.memory_space<vmem>>, %arg6: memref<2x16x128xf32, #tpu.memory_space<vmem>>, %arg7: memref<6272xf32, #tpu.memory_space<vmem>>, %arg8: memref<100352xf32, #tpu.memory_space<vmem_shared>>, %arg9: memref<!tpu.dma_semaphore, #tpu.memory_space<semaphore_mem>>, %arg10: memref<!tpu.dma_semaphore, #tpu.memory_space<semaphore_mem>>) attributes {dimension_semantics = [#tpu.dimension_semantics<core_parallel>, #tpu.dimension_semantics<subcore_parallel>], iteration_bounds = array<i64: 2, 16>, scalar_prefetch = 0 : i64, scratch_operands = 6 : i64, tpu.core_type = #tpu.core_type<sc_vector_subcore>, window_params = [{transform_indices = #map}, {transform_indices = #map}, {transform_indices = #map}]} {
    %mul3A = arith.constant 16 : i32
    %mul3A_0 = arith.muli %arg0, %mul3A : i32
    %add3A = arith.addi %mul3A_0, %arg1 : i32
    %broadcast_in_dim3A = arith.constant 0.000000e+00 : f32
    %broadcast_in_dim3A_1 = vector.broadcast %broadcast_in_dim3A : f32 to vector<16xf32>
    %scan3A = arith.constant 0 : i32
    %scan3A_2 = arith.constant 392 : i32
    %scan3A_3 = arith.addi %scan3A, %scan3A_2 : i32
    %scan3A_4 = arith.constant 1 : i32
    scf.for %scan3A_51 = %scan3A to %scan3A_3 step %scan3A_4  : i32 {
      %mul3A_52 = arith.constant 16 : i32
      %mul3A_53 = arith.muli %scan3A_51, %mul3A_52 : i32
      %swap3A = arith.index_cast %mul3A_53 : i32 to index
      %swap3A_54 = tpu.vector_load %arg7[%swap3A] {strides = array<i32>} : memref<6272xf32, #tpu.memory_space<vmem>>, vector<16xf32>,
      tpu.vector_store %arg7[%swap3A], %broadcast_in_dim3A_1 {strides = array<i32>} : memref<6272xf32, #tpu.memory_space<vmem>>, vector<16xf32>,
    }
    %scan3A_5 = arith.constant 392 : i32
    %mul3A_6 = arith.constant 6272 : i32
    %mul3A_7 = arith.muli %arg1, %mul3A_6 : i32
    %multiple_of3A = tpu.assume_multiple %mul3A_7, 8 : i32
    "tpu.region"() ({
      %run_scoped3A = tpu.sem_alloc : memref<!tpu.dma_semaphore, #tpu.memory_space<semaphore_mem>>
      %dma_start3A_51 = tpu.memref_slice %arg8[%multiple_of3A] : memref<100352xf32, #tpu.memory_space<vmem_shared>> -> memref<6272xf32, #tpu.memory_space<vmem_shared>>
      %dma_start3A_52 = tpu.memref_slice %arg8[%multiple_of3A] : memref<100352xf32, #tpu.memory_space<vmem_shared>> -> memref<6272xf32, #tpu.memory_space<vmem_shared>>
      tpu.enqueue_dma source(%arg7 : memref<6272xf32, #tpu.memory_space<vmem>>) target(%dma_start3A_52 : memref<6272xf32, #tpu.memory_space<vmem_shared>>) target_semaphore(%run_scoped3A : memref<!tpu.dma_semaphore, #tpu.memory_space<semaphore_mem>>)
      %dma_wait3A = tpu.memref_slice %arg8[%multiple_of3A] : memref<100352xf32, #tpu.memory_space<vmem_shared>> -> memref<6272xf32, #tpu.memory_space<vmem_shared>>
      %dma_wait3A_53 = tpu.memref_slice %arg8[%multiple_of3A] : memref<100352xf32, #tpu.memory_space<vmem_shared>> -> memref<6272xf32, #tpu.memory_space<vmem_shared>>
      tpu.wait_dma2 semaphore(%run_scoped3A : memref<!tpu.dma_semaphore, #tpu.memory_space<semaphore_mem>>) src(%arg7 : memref<6272xf32, #tpu.memory_space<vmem>>) dst(%dma_wait3A_53 : memref<6272xf32, #tpu.memory_space<vmem_shared>>)
      tpu.yield
    }) : () -> ()
    %barrier3A = arith.constant 0 : index
    tpu.barrier barrier_id(%barrier3A)
    %mul3A_8 = arith.constant 390 : i32
    %mul3A_9 = arith.muli %add3A, %mul3A_8 : i32
    %min3A = arith.constant 20 : i32
    %min3A_10 = arith.minsi %add3A, %min3A : i32
    %add3A_11 = arith.addi %mul3A_9, %min3A_10 : i32
    %dma_start3A = arith.constant 0 : i32
    %dma_start3A_12 = arith.constant 0 : i32
    %dma_start3A_13 = arith.constant 0 : i32
    %dma_start3A_14 = tpu.memref_slice %arg5[%dma_start3A, %dma_start3A_12, %dma_start3A_13] : memref<2x16x128xi32, #tpu.memory_space<vmem>> -> memref<1x16x128xi32, #tpu.memory_space<vmem>>
    %dma_start3A_15 = tpu.memref_squeeze %dma_start3A_14 : memref<1x16x128xi32, #tpu.memory_space<vmem>> -> memref<16x128xi32, #tpu.memory_space<vmem>>
    %dma_start3A_16 = arith.constant 0 : i32
    %dma_start3A_17 = tpu.memref_slice %arg3[%add3A_11, %dma_start3A_16] : memref<12500x128xi32, #tpu.memory_space<hbm>> -> memref<16x128xi32, #tpu.memory_space<hbm>>
    %dma_start3A_18 = arith.constant 0 : i32
    %dma_start3A_19 = arith.constant 0 : i32
    %dma_start3A_20 = tpu.memref_slice %arg5[%dma_start3A, %dma_start3A_18, %dma_start3A_19] : memref<2x16x128xi32, #tpu.memory_space<vmem>> -> memref<1x16x128xi32, #tpu.memory_space<vmem>>
    %dma_start3A_21 = tpu.memref_squeeze %dma_start3A_20 : memref<1x16x128xi32, #tpu.memory_space<vmem>> -> memref<16x128xi32, #tpu.memory_space<vmem>>
    %dma_start3A_22 = arith.constant 0 : i32
    %dma_start3A_23 = tpu.memref_slice %arg3[%add3A_11, %dma_start3A_22] : memref<12500x128xi32, #tpu.memory_space<hbm>> -> memref<16x128xi32, #tpu.memory_space<hbm>>
    tpu.enqueue_dma source(%dma_start3A_23 : memref<16x128xi32, #tpu.memory_space<hbm>>) target(%dma_start3A_21 : memref<16x128xi32, #tpu.memory_space<vmem>>) target_semaphore(%arg9 : memref<!tpu.dma_semaphore, #tpu.memory_space<semaphore_mem>>)
    %dma_start3A_24 = arith.constant 0 : i32
    %dma_start3A_25 = arith.constant 0 : i32
    %dma_start3A_26 = arith.constant 0 : i32
    %dma_start3A_27 = tpu.memref_slice %arg6[%dma_start3A_24, %dma_start3A_25, %dma_start3A_26] : memref<2x16x128xf32, #tpu.memory_space<vmem>> -> memref<1x16x128xf32, #tpu.memory_space<vmem>>
    %dma_start3A_28 = tpu.memref_squeeze %dma_start3A_27 : memref<1x16x128xf32, #tpu.memory_space<vmem>> -> memref<16x128xf32, #tpu.memory_space<vmem>>
    %dma_start3A_29 = arith.constant 0 : i32
    %dma_start3A_30 = tpu.memref_slice %arg2[%add3A_11, %dma_start3A_29] : memref<12500x128xf32, #tpu.memory_space<hbm>> -> memref<16x128xf32, #tpu.memory_space<hbm>>
    %dma_start3A_31 = arith.constant 0 : i32
    %dma_start3A_32 = arith.constant 0 : i32
    %dma_start3A_33 = tpu.memref_slice %arg6[%dma_start3A_24, %dma_start3A_31, %dma_start3A_32] : memref<2x16x128xf32, #tpu.memory_space<vmem>> -> memref<1x16x128xf32, #tpu.memory_space<vmem>>
    %dma_start3A_34 = tpu.memref_squeeze %dma_start3A_33 : memref<1x16x128xf32, #tpu.memory_space<vmem>> -> memref<16x128xf32, #tpu.memory_space<vmem>>
    %dma_start3A_35 = arith.constant 0 : i32
    %dma_start3A_36 = tpu.memref_slice %arg2[%add3A_11, %dma_start3A_35] : memref<12500x128xf32, #tpu.memory_space<hbm>> -> memref<16x128xf32, #tpu.memory_space<hbm>>
    tpu.enqueue_dma source(%dma_start3A_36 : memref<16x128xf32, #tpu.memory_space<hbm>>) target(%dma_start3A_34 : memref<16x128xf32, #tpu.memory_space<vmem>>) target_semaphore(%arg9 : memref<!tpu.dma_semaphore, #tpu.memory_space<semaphore_mem>>)
    %scan3A_37 = arith.constant 0 : i32
    %scan3A_38 = arith.constant 24 : i32
    %scan3A_39 = arith.addi %scan3A_37, %scan3A_38 : i32
    %scan3A_40 = arith.constant 1 : i32
    scf.for %scan3A_51 = %scan3A_37 to %scan3A_39 step %scan3A_40  : i32 {
      %rem3A = arith.constant 2 : i32
      %rem3A_52 = arith.remsi %scan3A_51, %rem3A : i32
      %dma_wait3A = arith.constant 0 : i32
      %dma_wait3A_53 = arith.constant 0 : i32
      %dma_wait3A_54 = arith.constant 0 : i32
      %dma_wait3A_55 = tpu.memref_slice %arg5[%dma_wait3A, %dma_wait3A_53, %dma_wait3A_54] : memref<2x16x128xi32, #tpu.memory_space<vmem>> -> memref<1x16x128xi32, #tpu.memory_space<vmem>>
      %dma_wait3A_56 = tpu.memref_squeeze %dma_wait3A_55 : memref<1x16x128xi32, #tpu.memory_space<vmem>> -> memref<16x128xi32, #tpu.memory_space<vmem>>
      %dma_wait3A_57 = arith.constant 0 : i32
      %dma_wait3A_58 = arith.constant 0 : i32
      %dma_wait3A_59 = tpu.memref_slice %arg3[%dma_wait3A_57, %dma_wait3A_58] : memref<12500x128xi32, #tpu.memory_space<hbm>> -> memref<16x128xi32, #tpu.memory_space<hbm>>
      %dma_wait3A_60 = arith.constant 0 : i32
      %dma_wait3A_61 = arith.constant 0 : i32
      %dma_wait3A_62 = tpu.memref_slice %arg5[%dma_wait3A, %dma_wait3A_60, %dma_wait3A_61] : memref<2x16x128xi32, #tpu.memory_space<vmem>> -> memref<1x16x128xi32, #tpu.memory_space<vmem>>
      %dma_wait3A_63 = tpu.memref_squeeze %dma_wait3A_62 : memref<1x16x128xi32, #tpu.memory_space<vmem>> -> memref<16x128xi32, #tpu.memory_space<vmem>>
      %dma_wait3A_64 = arith.constant 0 : i32
      %dma_wait3A_65 = arith.constant 0 : i32
      %dma_wait3A_66 = tpu.memref_slice %arg3[%dma_wait3A_64, %dma_wait3A_65] : memref<12500x128xi32, #tpu.memory_space<hbm>> -> memref<16x128xi32, #tpu.memory_space<hbm>>
      tpu.wait_dma2 semaphore(%arg9 : memref<!tpu.dma_semaphore, #tpu.memory_space<semaphore_mem>>) src(%dma_wait3A_66 : memref<16x128xi32, #tpu.memory_space<hbm>>) dst(%dma_wait3A_63 : memref<16x128xi32, #tpu.memory_space<vmem>>)
      %dma_wait3A_67 = arith.constant 0 : i32
      %dma_wait3A_68 = arith.constant 0 : i32
      %dma_wait3A_69 = arith.constant 0 : i32
      %dma_wait3A_70 = tpu.memref_slice %arg6[%dma_wait3A_67, %dma_wait3A_68, %dma_wait3A_69] : memref<2x16x128xf32, #tpu.memory_space<vmem>> -> memref<1x16x128xf32, #tpu.memory_space<vmem>>
      %dma_wait3A_71 = tpu.memref_squeeze %dma_wait3A_70 : memref<1x16x128xf32, #tpu.memory_space<vmem>> -> memref<16x128xf32, #tpu.memory_space<vmem>>
      %dma_wait3A_72 = arith.constant 0 : i32
      %dma_wait3A_73 = arith.constant 0 : i32
      %dma_wait3A_74 = tpu.memref_slice %arg2[%dma_wait3A_72, %dma_wait3A_73] : memref<12500x128xf32, #tpu.memory_space<hbm>> -> memref<16x128xf32, #tpu.memory_space<hbm>>
      %dma_wait3A_75 = arith.constant 0 : i32
      %dma_wait3A_76 = arith.constant 0 : i32
      %dma_wait3A_77 = tpu.memref_slice %arg6[%dma_wait3A_67, %dma_wait3A_75, %dma_wait3A_76] : memref<2x16x128xf32, #tpu.memory_space<vmem>> -> memref<1x16x128xf32, #tpu.memory_space<vmem>>
      %dma_wait3A_78 = tpu.memref_squeeze %dma_wait3A_77 : memref<1x16x128xf32, #tpu.memory_space<vmem>> -> memref<16x128xf32, #tpu.memory_space<vmem>>
      %dma_wait3A_79 = arith.constant 0 : i32
      %dma_wait3A_80 = arith.constant 0 : i32
      %dma_wait3A_81 = tpu.memref_slice %arg2[%dma_wait3A_79, %dma_wait3A_80] : memref<12500x128xf32, #tpu.memory_space<hbm>> -> memref<16x128xf32, #tpu.memory_space<hbm>>
      tpu.wait_dma2 semaphore(%arg9 : memref<!tpu.dma_semaphore, #tpu.memory_space<semaphore_mem>>) src(%dma_wait3A_81 : memref<16x128xf32, #tpu.memory_space<hbm>>) dst(%dma_wait3A_78 : memref<16x128xf32, #tpu.memory_space<vmem>>)
      %add3A_82 = arith.constant 1 : i32
      %add3A_83 = arith.addi %scan3A_51, %add3A_82 : i32
      %lt3A_84 = arith.constant 24 : i32
      %lt3A_85 = arith.cmpi slt, %add3A_83, %lt3A_84 : i32
      %convert_element_type3A_86 = arith.extui %lt3A_85 : i1 to i32
      %cond3A_87 = arith.constant 0 : i32
      %cond3A_88 = arith.cmpi ne, %convert_element_type3A_86, %cond3A_87 : i32
      scf.if %cond3A_88 {
        %add3A_409 = arith.constant 1 : i32
        %add3A_410 = arith.addi %scan3A_51, %add3A_409 : i32
        %mul3A_411 = arith.constant 16 : i32
        %mul3A_412 = arith.muli %add3A_410, %mul3A_411 : i32
        %add3A_413 = arith.addi %add3A_11, %mul3A_412 : i32
        %add3A_414 = arith.constant 1 : i32
        %add3A_415 = arith.addi %scan3A_51, %add3A_414 : i32
        %rem3A_416 = arith.constant 2 : i32
        %rem3A_417 = arith.remsi %add3A_415, %rem3A_416 : i32
        %dma_start3A_418 = arith.constant 0 : i32
        %dma_start3A_419 = arith.constant 0 : i32
        %dma_start3A_420 = tpu.memref_slice %arg5[%rem3A_417, %dma_start3A_418, %dma_start3A_419] : memref<2x16x128xi32, #tpu.memory_space<vmem>> -> memref<1x16x128xi32, #tpu.memory_space<vmem>>
        %dma_start3A_421 = tpu.memref_squeeze %dma_start3A_420 : memref<1x16x128xi32, #tpu.memory_space<vmem>> -> memref<16x128xi32, #tpu.memory_space<vmem>>
        %dma_start3A_422 = arith.constant 0 : i32
        %dma_start3A_423 = tpu.memref_slice %arg3[%add3A_413, %dma_start3A_422] : memref<12500x128xi32, #tpu.memory_space<hbm>> -> memref<16x128xi32, #tpu.memory_space<hbm>>
        %dma_start3A_424 = arith.constant 0 : i32
        %dma_start3A_425 = arith.constant 0 : i32
        %dma_start3A_426 = tpu.memref_slice %arg5[%rem3A_417, %dma_start3A_424, %dma_start3A_425] : memref<2x16x128xi32, #tpu.memory_space<vmem>> -> memref<1x16x128xi32, #tpu.memory_space<vmem>>
        %dma_start3A_427 = tpu.memref_squeeze %dma_start3A_426 : memref<1x16x128xi32, #tpu.memory_space<vmem>> -> memref<16x128xi32, #tpu.memory_space<vmem>>
        %dma_start3A_428 = arith.constant 0 : i32
        %dma_start3A_429 = tpu.memref_slice %arg3[%add3A_413, %dma_start3A_428] : memref<12500x128xi32, #tpu.memory_space<hbm>> -> memref<16x128xi32, #tpu.memory_space<hbm>>
        tpu.enqueue_dma source(%dma_start3A_429 : memref<16x128xi32, #tpu.memory_space<hbm>>) target(%dma_start3A_427 : memref<16x128xi32, #tpu.memory_space<vmem>>) target_semaphore(%arg9 : memref<!tpu.dma_semaphore, #tpu.memory_space<semaphore_mem>>)
        %dma_start3A_430 = arith.constant 0 : i32
        %dma_start3A_431 = arith.constant 0 : i32
        %dma_start3A_432 = tpu.memref_slice %arg6[%rem3A_417, %dma_start3A_430, %dma_start3A_431] : memref<2x16x128xf32, #tpu.memory_space<vmem>> -> memref<1x16x128xf32, #tpu.memory_space<vmem>>
        %dma_start3A_433 = tpu.memref_squeeze %dma_start3A_432 : memref<1x16x128xf32, #tpu.memory_space<vmem>> -> memref<16x128xf32, #tpu.memory_space<vmem>>
        %dma_start3A_434 = arith.constant 0 : i32
        %dma_start3A_435 = tpu.memref_slice %arg2[%add3A_413, %dma_start3A_434] : memref<12500x128xf32, #tpu.memory_space<hbm>> -> memref<16x128xf32, #tpu.memory_space<hbm>>
        %dma_start3A_436 = arith.constant 0 : i32
        %dma_start3A_437 = arith.constant 0 : i32
        %dma_start3A_438 = tpu.memref_slice %arg6[%rem3A_417, %dma_start3A_436, %dma_start3A_437] : memref<2x16x128xf32, #tpu.memory_space<vmem>> -> memref<1x16x128xf32, #tpu.memory_space<vmem>>
        %dma_start3A_439 = tpu.memref_squeeze %dma_start3A_438 : memref<1x16x128xf32, #tpu.memory_space<vmem>> -> memref<16x128xf32, #tpu.memory_space<vmem>>
        %dma_start3A_440 = arith.constant 0 : i32
        %dma_start3A_441 = tpu.memref_slice %arg2[%add3A_413, %dma_start3A_440] : memref<12500x128xf32, #tpu.memory_space<hbm>> -> memref<16x128xf32, #tpu.memory_space<hbm>>
        tpu.enqueue_dma source(%dma_start3A_441 : memref<16x128xf32, #tpu.memory_space<hbm>>) target(%dma_start3A_439 : memref<16x128xf32, #tpu.memory_space<vmem>>) target_semaphore(%arg9 : memref<!tpu.dma_semaphore, #tpu.memory_space<semaphore_mem>>)
      } else {
      }
      %dma_start3A_89 = arith.constant 0 : i32
      %dma_start3A_90 = arith.constant 0 : i32
      %dma_start3A_91 = arith.constant 0 : i32
      %dma_start3A_92 = tpu.memref_slice %arg6[%rem3A_52, %dma_start3A_89, %dma_start3A_91] : memref<2x16x128xf32, #tpu.memory_space<vmem>> -> memref<1x1x128xf32, #tpu.memory_space<vmem>>
      %dma_start3A_93 = tpu.memref_squeeze %dma_start3A_92 : memref<1x1x128xf32, #tpu.memory_space<vmem>> -> memref<128xf32, #tpu.memory_space<vmem>>
      %dma_start3A_94 = arith.constant 0 : i32
      %dma_start3A_95 = tpu.memref_slice %arg5[%rem3A_52, %dma_start3A_90, %dma_start3A_94] : memref<2x16x128xi32, #tpu.memory_space<vmem>> -> memref<1x1x128xi32, #tpu.memory_space<vmem>>
      %dma_start3A_96 = tpu.memref_squeeze %dma_start3A_95 : memref<1x1x128xi32, #tpu.memory_space<vmem>> -> memref<128xi32, #tpu.memory_space<vmem>>
      %dma_start3A_97 = arith.constant 0 : i32
      %dma_start3A_98 = tpu.memref_slice %arg8[%dma_start3A_97] : memref<100352xf32, #tpu.memory_space<vmem_shared>> -> memref<100352xf32, #tpu.memory_space<vmem_shared>>
      tpu.enqueue_indirect_dma source(%dma_start3A_93 : memref<128xf32, #tpu.memory_space<vmem>>) target(%dma_start3A_98 : memref<100352xf32, #tpu.memory_space<vmem_shared>>) offsets(%dma_start3A_96 : memref<128xi32, #tpu.memory_space<vmem>>) semaphore(%arg10 : memref<!tpu.dma_semaphore, #tpu.memory_space<semaphore_mem>>) {add = true}
      %dma_start3A_99 = arith.constant 1 : i32
      %dma_start3A_100 = arith.constant 1 : i32
      %dma_start3A_101 = arith.constant 0 : i32
      %dma_start3A_102 = tpu.memref_slice %arg6[%rem3A_52, %dma_start3A_99, %dma_start3A_101] : memref<2x16x128xf32, #tpu.memory_space<vmem>> -> memref<1x1x128xf32, #tpu.memory_space<vmem>>
      %dma_start3A_103 = tpu.memref_squeeze %dma_start3A_102 : memref<1x1x128xf32, #tpu.memory_space<vmem>> -> memref<128xf32, #tpu.memory_space<vmem>>
      %dma_start3A_104 = arith.constant 0 : i32
      %dma_start3A_105 = tpu.memref_slice %arg5[%rem3A_52, %dma_start3A_100, %dma_start3A_104] : memref<2x16x128xi32, #tpu.memory_space<vmem>> -> memref<1x1x128xi32, #tpu.memory_space<vmem>>
      %dma_start3A_106 = tpu.memref_squeeze %dma_start3A_105 : memref<1x1x128xi32, #tpu.memory_space<vmem>> -> memref<128xi32, #tpu.memory_space<vmem>>
      %dma_start3A_107 = arith.constant 0 : i32
      %dma_start3A_108 = tpu.memref_slice %arg8[%dma_start3A_107] : memref<100352xf32, #tpu.memory_space<vmem_shared>> -> memref<100352xf32, #tpu.memory_space<vmem_shared>>
      tpu.enqueue_indirect_dma source(%dma_start3A_103 : memref<128xf32, #tpu.memory_space<vmem>>) target(%dma_start3A_108 : memref<100352xf32, #tpu.memory_space<vmem_shared>>) offsets(%dma_start3A_106 : memref<128xi32, #tpu.memory_space<vmem>>) semaphore(%arg10 : memref<!tpu.dma_semaphore, #tpu.memory_space<semaphore_mem>>) {add = true}
      %dma_start3A_109 = arith.constant 2 : i32
      %dma_start3A_110 = arith.constant 2 : i32
      %dma_start3A_111 = arith.constant 0 : i32
      %dma_start3A_112 = tpu.memref_slice %arg6[%rem3A_52, %dma_start3A_109, %dma_start3A_111] : memref<2x16x128xf32, #tpu.memory_space<vmem>> -> memref<1x1x128xf32, #tpu.memory_space<vmem>>
      %dma_start3A_113 = tpu.memref_squeeze %dma_start3A_112 : memref<1x1x128xf32, #tpu.memory_space<vmem>> -> memref<128xf32, #tpu.memory_space<vmem>>
      %dma_start3A_114 = arith.constant 0 : i32
      %dma_start3A_115 = tpu.memref_slice %arg5[%rem3A_52, %dma_start3A_110, %dma_start3A_114] : memref<2x16x128xi32, #tpu.memory_space<vmem>> -> memref<1x1x128xi32, #tpu.memory_space<vmem>>
      %dma_start3A_116 = tpu.memref_squeeze %dma_start3A_115 : memref<1x1x128xi32, #tpu.memory_space<vmem>> -> memref<128xi32, #tpu.memory_space<vmem>>
      %dma_start3A_117 = arith.constant 0 : i32
      %dma_start3A_118 = tpu.memref_slice %arg8[%dma_start3A_117] : memref<100352xf32, #tpu.memory_space<vmem_shared>> -> memref<100352xf32, #tpu.memory_space<vmem_shared>>
      tpu.enqueue_indirect_dma source(%dma_start3A_113 : memref<128xf32, #tpu.memory_space<vmem>>) target(%dma_start3A_118 : memref<100352xf32, #tpu.memory_space<vmem_shared>>) offsets(%dma_start3A_116 : memref<128xi32, #tpu.memory_space<vmem>>) semaphore(%arg10 : memref<!tpu.dma_semaphore, #tpu.memory_space<semaphore_mem>>) {add = true}
      %dma_start3A_119 = arith.constant 3 : i32
      %dma_start3A_120 = arith.constant 3 : i32
      %dma_start3A_121 = arith.constant 0 : i32
      %dma_start3A_122 = tpu.memref_slice %arg6[%rem3A_52, %dma_start3A_119, %dma_start3A_121] : memref<2x16x128xf32, #tpu.memory_space<vmem>> -> memref<1x1x128xf32, #tpu.memory_space<vmem>>
      %dma_start3A_123 = tpu.memref_squeeze %dma_start3A_122 : memref<1x1x128xf32, #tpu.memory_space<vmem>> -> memref<128xf32, #tpu.memory_space<vmem>>
      %dma_start3A_124 = arith.constant 0 : i32
      %dma_start3A_125 = tpu.memref_slice %arg5[%rem3A_52, %dma_start3A_120, %dma_start3A_124] : memref<2x16x128xi32, #tpu.memory_space<vmem>> -> memref<1x1x128xi32, #tpu.memory_space<vmem>>
      %dma_start3A_126 = tpu.memref_squeeze %dma_start3A_125 : memref<1x1x128xi32, #tpu.memory_space<vmem>> -> memref<128xi32, #tpu.memory_space<vmem>>
      %dma_start3A_127 = arith.constant 0 : i32
      %dma_start3A_128 = tpu.memref_slice %arg8[%dma_start3A_127] : memref<100352xf32, #tpu.memory_space<vmem_shared>> -> memref<100352xf32, #tpu.memory_space<vmem_shared>>
      tpu.enqueue_indirect_dma source(%dma_start3A_123 : memref<128xf32, #tpu.memory_space<vmem>>) target(%dma_start3A_128 : memref<100352xf32, #tpu.memory_space<vmem_shared>>) offsets(%dma_start3A_126 : memref<128xi32, #tpu.memory_space<vmem>>) semaphore(%arg10 : memref<!tpu.dma_semaphore, #tpu.memory_space<semaphore_mem>>) {add = true}
      %dma_start3A_129 = arith.constant 4 : i32
      %dma_start3A_130 = arith.constant 4 : i32
      %dma_start3A_131 = arith.constant 0 : i32
      %dma_start3A_132 = tpu.memref_slice %arg6[%rem3A_52, %dma_start3A_129, %dma_start3A_131] : memref<2x16x128xf32, #tpu.memory_space<vmem>> -> memref<1x1x128xf32, #tpu.memory_space<vmem>>
      %dma_start3A_133 = tpu.memref_squeeze %dma_start3A_132 : memref<1x1x128xf32, #tpu.memory_space<vmem>> -> memref<128xf32, #tpu.memory_space<vmem>>
      %dma_start3A_134 = arith.constant 0 : i32
      %dma_start3A_135 = tpu.memref_slice %arg5[%rem3A_52, %dma_start3A_130, %dma_start3A_134] : memref<2x16x128xi32, #tpu.memory_space<vmem>> -> memref<1x1x128xi32, #tpu.memory_space<vmem>>
      %dma_start3A_136 = tpu.memref_squeeze %dma_start3A_135 : memref<1x1x128xi32, #tpu.memory_space<vmem>> -> memref<128xi32, #tpu.memory_space<vmem>>
      %dma_start3A_137 = arith.constant 0 : i32
      %dma_start3A_138 = tpu.memref_slice %arg8[%dma_start3A_137] : memref<100352xf32, #tpu.memory_space<vmem_shared>> -> memref<100352xf32, #tpu.memory_space<vmem_shared>>
      tpu.enqueue_indirect_dma source(%dma_start3A_133 : memref<128xf32, #tpu.memory_space<vmem>>) target(%dma_start3A_138 : memref<100352xf32, #tpu.memory_space<vmem_shared>>) offsets(%dma_start3A_136 : memref<128xi32, #tpu.memory_space<vmem>>) semaphore(%arg10 : memref<!tpu.dma_semaphore, #tpu.memory_space<semaphore_mem>>) {add = true}
      %dma_start3A_139 = arith.constant 5 : i32
      %dma_start3A_140 = arith.constant 5 : i32
      %dma_start3A_141 = arith.constant 0 : i32
      %dma_start3A_142 = tpu.memref_slice %arg6[%rem3A_52, %dma_start3A_139, %dma_start3A_141] : memref<2x16x128xf32, #tpu.memory_space<vmem>> -> memref<1x1x128xf32, #tpu.memory_space<vmem>>
      %dma_start3A_143 = tpu.memref_squeeze %dma_start3A_142 : memref<1x1x128xf32, #tpu.memory_space<vmem>> -> memref<128xf32, #tpu.memory_space<vmem>>
      %dma_start3A_144 = arith.constant 0 : i32
      %dma_start3A_145 = tpu.memref_slice %arg5[%rem3A_52, %dma_start3A_140, %dma_start3A_144] : memref<2x16x128xi32, #tpu.memory_space<vmem>> -> memref<1x1x128xi32, #tpu.memory_space<vmem>>
      %dma_start3A_146 = tpu.memref_squeeze %dma_start3A_145 : memref<1x1x128xi32, #tpu.memory_space<vmem>> -> memref<128xi32, #tpu.memory_space<vmem>>
      %dma_start3A_147 = arith.constant 0 : i32
      %dma_start3A_148 = tpu.memref_slice %arg8[%dma_start3A_147] : memref<100352xf32, #tpu.memory_space<vmem_shared>> -> memref<100352xf32, #tpu.memory_space<vmem_shared>>
      tpu.enqueue_indirect_dma source(%dma_start3A_143 : memref<128xf32, #tpu.memory_space<vmem>>) target(%dma_start3A_148 : memref<100352xf32, #tpu.memory_space<vmem_shared>>) offsets(%dma_start3A_146 : memref<128xi32, #tpu.memory_space<vmem>>) semaphore(%arg10 : memref<!tpu.dma_semaphore, #tpu.memory_space<semaphore_mem>>) {add = true}
      %dma_start3A_149 = arith.constant 6 : i32
      %dma_start3A_150 = arith.constant 6 : i32
      %dma_start3A_151 = arith.constant 0 : i32
      %dma_start3A_152 = tpu.memref_slice %arg6[%rem3A_52, %dma_start3A_149, %dma_start3A_151] : memref<2x16x128xf32, #tpu.memory_space<vmem>> -> memref<1x1x128xf32, #tpu.memory_space<vmem>>
      %dma_start3A_153 = tpu.memref_squeeze %dma_start3A_152 : memref<1x1x128xf32, #tpu.memory_space<vmem>> -> memref<128xf32, #tpu.memory_space<vmem>>
      %dma_start3A_154 = arith.constant 0 : i32
      %dma_start3A_155 = tpu.memref_slice %arg5[%rem3A_52, %dma_start3A_150, %dma_start3A_154] : memref<2x16x128xi32, #tpu.memory_space<vmem>> -> memref<1x1x128xi32, #tpu.memory_space<vmem>>
      %dma_start3A_156 = tpu.memref_squeeze %dma_start3A_155 : memref<1x1x128xi32, #tpu.memory_space<vmem>> -> memref<128xi32, #tpu.memory_space<vmem>>
      %dma_start3A_157 = arith.constant 0 : i32
      %dma_start3A_158 = tpu.memref_slice %arg8[%dma_start3A_157] : memref<100352xf32, #tpu.memory_space<vmem_shared>> -> memref<100352xf32, #tpu.memory_space<vmem_shared>>
      tpu.enqueue_indirect_dma source(%dma_start3A_153 : memref<128xf32, #tpu.memory_space<vmem>>) target(%dma_start3A_158 : memref<100352xf32, #tpu.memory_space<vmem_shared>>) offsets(%dma_start3A_156 : memref<128xi32, #tpu.memory_space<vmem>>) semaphore(%arg10 : memref<!tpu.dma_semaphore, #tpu.memory_space<semaphore_mem>>) {add = true}
      %dma_start3A_159 = arith.constant 7 : i32
      %dma_start3A_160 = arith.constant 7 : i32
      %dma_start3A_161 = arith.constant 0 : i32
      %dma_start3A_162 = tpu.memref_slice %arg6[%rem3A_52, %dma_start3A_159, %dma_start3A_161] : memref<2x16x128xf32, #tpu.memory_space<vmem>> -> memref<1x1x128xf32, #tpu.memory_space<vmem>>
      %dma_start3A_163 = tpu.memref_squeeze %dma_start3A_162 : memref<1x1x128xf32, #tpu.memory_space<vmem>> -> memref<128xf32, #tpu.memory_space<vmem>>
      %dma_start3A_164 = arith.constant 0 : i32
      %dma_start3A_165 = tpu.memref_slice %arg5[%rem3A_52, %dma_start3A_160, %dma_start3A_164] : memref<2x16x128xi32, #tpu.memory_space<vmem>> -> memref<1x1x128xi32, #tpu.memory_space<vmem>>
      %dma_start3A_166 = tpu.memref_squeeze %dma_start3A_165 : memref<1x1x128xi32, #tpu.memory_space<vmem>> -> memref<128xi32, #tpu.memory_space<vmem>>
      %dma_start3A_167 = arith.constant 0 : i32
      %dma_start3A_168 = tpu.memref_slice %arg8[%dma_start3A_167] : memref<100352xf32, #tpu.memory_space<vmem_shared>> -> memref<100352xf32, #tpu.memory_space<vmem_shared>>
      tpu.enqueue_indirect_dma source(%dma_start3A_163 : memref<128xf32, #tpu.memory_space<vmem>>) target(%dma_start3A_168 : memref<100352xf32, #tpu.memory_space<vmem_shared>>) offsets(%dma_start3A_166 : memref<128xi32, #tpu.memory_space<vmem>>) semaphore(%arg10 : memref<!tpu.dma_semaphore, #tpu.memory_space<semaphore_mem>>) {add = true}
      %dma_start3A_169 = arith.constant 8 : i32
      %dma_start3A_170 = arith.constant 8 : i32
      %dma_start3A_171 = arith.constant 0 : i32
      %dma_start3A_172 = tpu.memref_slice %arg6[%rem3A_52, %dma_start3A_169, %dma_start3A_171] : memref<2x16x128xf32, #tpu.memory_space<vmem>> -> memref<1x1x128xf32, #tpu.memory_space<vmem>>
      %dma_start3A_173 = tpu.memref_squeeze %dma_start3A_172 : memref<1x1x128xf32, #tpu.memory_space<vmem>> -> memref<128xf32, #tpu.memory_space<vmem>>
      %dma_start3A_174 = arith.constant 0 : i32
      %dma_start3A_175 = tpu.memref_slice %arg5[%rem3A_52, %dma_start3A_170, %dma_start3A_174] : memref<2x16x128xi32, #tpu.memory_space<vmem>> -> memref<1x1x128xi32, #tpu.memory_space<vmem>>
      %dma_start3A_176 = tpu.memref_squeeze %dma_start3A_175 : memref<1x1x128xi32, #tpu.memory_space<vmem>> -> memref<128xi32, #tpu.memory_space<vmem>>
      %dma_start3A_177 = arith.constant 0 : i32
      %dma_start3A_178 = tpu.memref_slice %arg8[%dma_start3A_177] : memref<100352xf32, #tpu.memory_space<vmem_shared>> -> memref<100352xf32, #tpu.memory_space<vmem_shared>>
      tpu.enqueue_indirect_dma source(%dma_start3A_173 : memref<128xf32, #tpu.memory_space<vmem>>) target(%dma_start3A_178 : memref<100352xf32, #tpu.memory_space<vmem_shared>>) offsets(%dma_start3A_176 : memref<128xi32, #tpu.memory_space<vmem>>) semaphore(%arg10 : memref<!tpu.dma_semaphore, #tpu.memory_space<semaphore_mem>>) {add = true}
      %dma_start3A_179 = arith.constant 9 : i32
      %dma_start3A_180 = arith.constant 9 : i32
      %dma_start3A_181 = arith.constant 0 : i32
      %dma_start3A_182 = tpu.memref_slice %arg6[%rem3A_52, %dma_start3A_179, %dma_start3A_181] : memref<2x16x128xf32, #tpu.memory_space<vmem>> -> memref<1x1x128xf32, #tpu.memory_space<vmem>>
      %dma_start3A_183 = tpu.memref_squeeze %dma_start3A_182 : memref<1x1x128xf32, #tpu.memory_space<vmem>> -> memref<128xf32, #tpu.memory_space<vmem>>
      %dma_start3A_184 = arith.constant 0 : i32
      %dma_start3A_185 = tpu.memref_slice %arg5[%rem3A_52, %dma_start3A_180, %dma_start3A_184] : memref<2x16x128xi32, #tpu.memory_space<vmem>> -> memref<1x1x128xi32, #tpu.memory_space<vmem>>
      %dma_start3A_186 = tpu.memref_squeeze %dma_start3A_185 : memref<1x1x128xi32, #tpu.memory_space<vmem>> -> memref<128xi32, #tpu.memory_space<vmem>>
      %dma_start3A_187 = arith.constant 0 : i32
      %dma_start3A_188 = tpu.memref_slice %arg8[%dma_start3A_187] : memref<100352xf32, #tpu.memory_space<vmem_shared>> -> memref<100352xf32, #tpu.memory_space<vmem_shared>>
      tpu.enqueue_indirect_dma source(%dma_start3A_183 : memref<128xf32, #tpu.memory_space<vmem>>) target(%dma_start3A_188 : memref<100352xf32, #tpu.memory_space<vmem_shared>>) offsets(%dma_start3A_186 : memref<128xi32, #tpu.memory_space<vmem>>) semaphore(%arg10 : memref<!tpu.dma_semaphore, #tpu.memory_space<semaphore_mem>>) {add = true}
      %dma_start3A_189 = arith.constant 10 : i32
      %dma_start3A_190 = arith.constant 10 : i32
      %dma_start3A_191 = arith.constant 0 : i32
      %dma_start3A_192 = tpu.memref_slice %arg6[%rem3A_52, %dma_start3A_189, %dma_start3A_191] : memref<2x16x128xf32, #tpu.memory_space<vmem>> -> memref<1x1x128xf32, #tpu.memory_space<vmem>>
      %dma_start3A_193 = tpu.memref_squeeze %dma_start3A_192 : memref<1x1x128xf32, #tpu.memory_space<vmem>> -> memref<128xf32, #tpu.memory_space<vmem>>
      %dma_start3A_194 = arith.constant 0 : i32
      %dma_start3A_195 = tpu.memref_slice %arg5[%rem3A_52, %dma_start3A_190, %dma_start3A_194] : memref<2x16x128xi32, #tpu.memory_space<vmem>> -> memref<1x1x128xi32, #tpu.memory_space<vmem>>
      %dma_start3A_196 = tpu.memref_squeeze %dma_start3A_195 : memref<1x1x128xi32, #tpu.memory_space<vmem>> -> memref<128xi32, #tpu.memory_space<vmem>>
      %dma_start3A_197 = arith.constant 0 : i32
      %dma_start3A_198 = tpu.memref_slice %arg8[%dma_start3A_197] : memref<100352xf32, #tpu.memory_space<vmem_shared>> -> memref<100352xf32, #tpu.memory_space<vmem_shared>>
      tpu.enqueue_indirect_dma source(%dma_start3A_193 : memref<128xf32, #tpu.memory_space<vmem>>) target(%dma_start3A_198 : memref<100352xf32, #tpu.memory_space<vmem_shared>>) offsets(%dma_start3A_196 : memref<128xi32, #tpu.memory_space<vmem>>) semaphore(%arg10 : memref<!tpu.dma_semaphore, #tpu.memory_space<semaphore_mem>>) {add = true}
      %dma_start3A_199 = arith.constant 11 : i32
      %dma_start3A_200 = arith.constant 11 : i32
      %dma_start3A_201 = arith.constant 0 : i32
      %dma_start3A_202 = tpu.memref_slice %arg6[%rem3A_52, %dma_start3A_199, %dma_start3A_201] : memref<2x16x128xf32, #tpu.memory_space<vmem>> -> memref<1x1x128xf32, #tpu.memory_space<vmem>>
      %dma_start3A_203 = tpu.memref_squeeze %dma_start3A_202 : memref<1x1x128xf32, #tpu.memory_space<vmem>> -> memref<128xf32, #tpu.memory_space<vmem>>
      %dma_start3A_204 = arith.constant 0 : i32
      %dma_start3A_205 = tpu.memref_slice %arg5[%rem3A_52, %dma_start3A_200, %dma_start3A_204] : memref<2x16x128xi32, #tpu.memory_space<vmem>> -> memref<1x1x128xi32, #tpu.memory_space<vmem>>
      %dma_start3A_206 = tpu.memref_squeeze %dma_start3A_205 : memref<1x1x128xi32, #tpu.memory_space<vmem>> -> memref<128xi32, #tpu.memory_space<vmem>>
      %dma_start3A_207 = arith.constant 0 : i32
      %dma_start3A_208 = tpu.memref_slice %arg8[%dma_start3A_207] : memref<100352xf32, #tpu.memory_space<vmem_shared>> -> memref<100352xf32, #tpu.memory_space<vmem_shared>>
      tpu.enqueue_indirect_dma source(%dma_start3A_203 : memref<128xf32, #tpu.memory_space<vmem>>) target(%dma_start3A_208 : memref<100352xf32, #tpu.memory_space<vmem_shared>>) offsets(%dma_start3A_206 : memref<128xi32, #tpu.memory_space<vmem>>) semaphore(%arg10 : memref<!tpu.dma_semaphore, #tpu.memory_space<semaphore_mem>>) {add = true}
      %dma_start3A_209 = arith.constant 12 : i32
      %dma_start3A_210 = arith.constant 12 : i32
      %dma_start3A_211 = arith.constant 0 : i32
      %dma_start3A_212 = tpu.memref_slice %arg6[%rem3A_52, %dma_start3A_209, %dma_start3A_211] : memref<2x16x128xf32, #tpu.memory_space<vmem>> -> memref<1x1x128xf32, #tpu.memory_space<vmem>>
      %dma_start3A_213 = tpu.memref_squeeze %dma_start3A_212 : memref<1x1x128xf32, #tpu.memory_space<vmem>> -> memref<128xf32, #tpu.memory_space<vmem>>
      %dma_start3A_214 = arith.constant 0 : i32
      %dma_start3A_215 = tpu.memref_slice %arg5[%rem3A_52, %dma_start3A_210, %dma_start3A_214] : memref<2x16x128xi32, #tpu.memory_space<vmem>> -> memref<1x1x128xi32, #tpu.memory_space<vmem>>
      %dma_start3A_216 = tpu.memref_squeeze %dma_start3A_215 : memref<1x1x128xi32, #tpu.memory_space<vmem>> -> memref<128xi32, #tpu.memory_space<vmem>>
      %dma_start3A_217 = arith.constant 0 : i32
      %dma_start3A_218 = tpu.memref_slice %arg8[%dma_start3A_217] : memref<100352xf32, #tpu.memory_space<vmem_shared>> -> memref<100352xf32, #tpu.memory_space<vmem_shared>>
      tpu.enqueue_indirect_dma source(%dma_start3A_213 : memref<128xf32, #tpu.memory_space<vmem>>) target(%dma_start3A_218 : memref<100352xf32, #tpu.memory_space<vmem_shared>>) offsets(%dma_start3A_216 : memref<128xi32, #tpu.memory_space<vmem>>) semaphore(%arg10 : memref<!tpu.dma_semaphore, #tpu.memory_space<semaphore_mem>>) {add = true}
      %dma_start3A_219 = arith.constant 13 : i32
      %dma_start3A_220 = arith.constant 13 : i32
      %dma_start3A_221 = arith.constant 0 : i32
      %dma_start3A_222 = tpu.memref_slice %arg6[%rem3A_52, %dma_start3A_219, %dma_start3A_221] : memref<2x16x128xf32, #tpu.memory_space<vmem>> -> memref<1x1x128xf32, #tpu.memory_space<vmem>>
      %dma_start3A_223 = tpu.memref_squeeze %dma_start3A_222 : memref<1x1x128xf32, #tpu.memory_space<vmem>> -> memref<128xf32, #tpu.memory_space<vmem>>
      %dma_start3A_224 = arith.constant 0 : i32
      %dma_start3A_225 = tpu.memref_slice %arg5[%rem3A_52, %dma_start3A_220, %dma_start3A_224] : memref<2x16x128xi32, #tpu.memory_space<vmem>> -> memref<1x1x128xi32, #tpu.memory_space<vmem>>
      %dma_start3A_226 = tpu.memref_squeeze %dma_start3A_225 : memref<1x1x128xi32, #tpu.memory_space<vmem>> -> memref<128xi32, #tpu.memory_space<vmem>>
      %dma_start3A_227 = arith.constant 0 : i32
      %dma_start3A_228 = tpu.memref_slice %arg8[%dma_start3A_227] : memref<100352xf32, #tpu.memory_space<vmem_shared>> -> memref<100352xf32, #tpu.memory_space<vmem_shared>>
      tpu.enqueue_indirect_dma source(%dma_start3A_223 : memref<128xf32, #tpu.memory_space<vmem>>) target(%dma_start3A_228 : memref<100352xf32, #tpu.memory_space<vmem_shared>>) offsets(%dma_start3A_226 : memref<128xi32, #tpu.memory_space<vmem>>) semaphore(%arg10 : memref<!tpu.dma_semaphore, #tpu.memory_space<semaphore_mem>>) {add = true}
      %dma_start3A_229 = arith.constant 14 : i32
      %dma_start3A_230 = arith.constant 14 : i32
      %dma_start3A_231 = arith.constant 0 : i32
      %dma_start3A_232 = tpu.memref_slice %arg6[%rem3A_52, %dma_start3A_229, %dma_start3A_231] : memref<2x16x128xf32, #tpu.memory_space<vmem>> -> memref<1x1x128xf32, #tpu.memory_space<vmem>>
      %dma_start3A_233 = tpu.memref_squeeze %dma_start3A_232 : memref<1x1x128xf32, #tpu.memory_space<vmem>> -> memref<128xf32, #tpu.memory_space<vmem>>
      %dma_start3A_234 = arith.constant 0 : i32
      %dma_start3A_235 = tpu.memref_slice %arg5[%rem3A_52, %dma_start3A_230, %dma_start3A_234] : memref<2x16x128xi32, #tpu.memory_space<vmem>> -> memref<1x1x128xi32, #tpu.memory_space<vmem>>
      %dma_start3A_236 = tpu.memref_squeeze %dma_start3A_235 : memref<1x1x128xi32, #tpu.memory_space<vmem>> -> memref<128xi32, #tpu.memory_space<vmem>>
      %dma_start3A_237 = arith.constant 0 : i32
      %dma_start3A_238 = tpu.memref_slice %arg8[%dma_start3A_237] : memref<100352xf32, #tpu.memory_space<vmem_shared>> -> memref<100352xf32, #tpu.memory_space<vmem_shared>>
      tpu.enqueue_indirect_dma source(%dma_start3A_233 : memref<128xf32, #tpu.memory_space<vmem>>) target(%dma_start3A_238 : memref<100352xf32, #tpu.memory_space<vmem_shared>>) offsets(%dma_start3A_236 : memref<128xi32, #tpu.memory_space<vmem>>) semaphore(%arg10 : memref<!tpu.dma_semaphore, #tpu.memory_space<semaphore_mem>>) {add = true}
      %dma_start3A_239 = arith.constant 15 : i32
      %dma_start3A_240 = arith.constant 15 : i32
      %dma_start3A_241 = arith.constant 0 : i32
      %dma_start3A_242 = tpu.memref_slice %arg6[%rem3A_52, %dma_start3A_239, %dma_start3A_241] : memref<2x16x128xf32, #tpu.memory_space<vmem>> -> memref<1x1x128xf32, #tpu.memory_space<vmem>>
      %dma_start3A_243 = tpu.memref_squeeze %dma_start3A_242 : memref<1x1x128xf32, #tpu.memory_space<vmem>> -> memref<128xf32, #tpu.memory_space<vmem>>
      %dma_start3A_244 = arith.constant 0 : i32
      %dma_start3A_245 = tpu.memref_slice %arg5[%rem3A_52, %dma_start3A_240, %dma_start3A_244] : memref<2x16x128xi32, #tpu.memory_space<vmem>> -> memref<1x1x128xi32, #tpu.memory_space<vmem>>
      %dma_start3A_246 = tpu.memref_squeeze %dma_start3A_245 : memref<1x1x128xi32, #tpu.memory_space<vmem>> -> memref<128xi32, #tpu.memory_space<vmem>>
      %dma_start3A_247 = arith.constant 0 : i32
      %dma_start3A_248 = tpu.memref_slice %arg8[%dma_start3A_247] : memref<100352xf32, #tpu.memory_space<vmem_shared>> -> memref<100352xf32, #tpu.memory_space<vmem_shared>>
      tpu.enqueue_indirect_dma source(%dma_start3A_243 : memref<128xf32, #tpu.memory_space<vmem>>) target(%dma_start3A_248 : memref<100352xf32, #tpu.memory_space<vmem_shared>>) offsets(%dma_start3A_246 : memref<128xi32, #tpu.memory_space<vmem>>) semaphore(%arg10 : memref<!tpu.dma_semaphore, #tpu.memory_space<semaphore_mem>>) {add = true}
      %dma_wait3A_249 = arith.constant 0 : i32
      %dma_wait3A_250 = arith.constant 0 : i32
      %dma_wait3A_251 = arith.constant 0 : i32
      %dma_wait3A_252 = tpu.memref_slice %arg6[%rem3A_52, %dma_wait3A_249, %dma_wait3A_251] : memref<2x16x128xf32, #tpu.memory_space<vmem>> -> memref<1x1x128xf32, #tpu.memory_space<vmem>>
      %dma_wait3A_253 = tpu.memref_squeeze %dma_wait3A_252 : memref<1x1x128xf32, #tpu.memory_space<vmem>> -> memref<128xf32, #tpu.memory_space<vmem>>
      %dma_wait3A_254 = arith.constant 0 : i32
      %dma_wait3A_255 = tpu.memref_slice %arg5[%rem3A_52, %dma_wait3A_250, %dma_wait3A_254] : memref<2x16x128xi32, #tpu.memory_space<vmem>> -> memref<1x1x128xi32, #tpu.memory_space<vmem>>
      %dma_wait3A_256 = tpu.memref_squeeze %dma_wait3A_255 : memref<1x1x128xi32, #tpu.memory_space<vmem>> -> memref<128xi32, #tpu.memory_space<vmem>>
      %dma_wait3A_257 = arith.constant 0 : i32
      %dma_wait3A_258 = tpu.memref_slice %arg8[%dma_wait3A_257] : memref<100352xf32, #tpu.memory_space<vmem_shared>> -> memref<100352xf32, #tpu.memory_space<vmem_shared>>
      tpu.wait_indirect_dma semaphore(%arg10 : memref<!tpu.dma_semaphore, #tpu.memory_space<semaphore_mem>>) src(%dma_wait3A_253 : memref<128xf32, #tpu.memory_space<vmem>>) dst(%dma_wait3A_258 : memref<100352xf32, #tpu.memory_space<vmem_shared>>)
      %dma_wait3A_259 = arith.constant 1 : i32
      %dma_wait3A_260 = arith.constant 1 : i32
      %dma_wait3A_261 = arith.constant 0 : i32
      %dma_wait3A_262 = tpu.memref_slice %arg6[%rem3A_52, %dma_wait3A_259, %dma_wait3A_261] : memref<2x16x128xf32, #tpu.memory_space<vmem>> -> memref<1x1x128xf32, #tpu.memory_space<vmem>>
      %dma_wait3A_263 = tpu.memref_squeeze %dma_wait3A_262 : memref<1x1x128xf32, #tpu.memory_space<vmem>> -> memref<128xf32, #tpu.memory_space<vmem>>
      %dma_wait3A_264 = arith.constant 0 : i32
      %dma_wait3A_265 = tpu.memref_slice %arg5[%rem3A_52, %dma_wait3A_260, %dma_wait3A_264] : memref<2x16x128xi32, #tpu.memory_space<vmem>> -> memref<1x1x128xi32, #tpu.memory_space<vmem>>
      %dma_wait3A_266 = tpu.memref_squeeze %dma_wait3A_265 : memref<1x1x128xi32, #tpu.memory_space<vmem>> -> memref<128xi32, #tpu.memory_space<vmem>>
      %dma_wait3A_267 = arith.constant 0 : i32
      %dma_wait3A_268 = tpu.memref_slice %arg8[%dma_wait3A_267] : memref<100352xf32, #tpu.memory_space<vmem_shared>> -> memref<100352xf32, #tpu.memory_space<vmem_shared>>
      tpu.wait_indirect_dma semaphore(%arg10 : memref<!tpu.dma_semaphore, #tpu.memory_space<semaphore_mem>>) src(%dma_wait3A_263 : memref<128xf32, #tpu.memory_space<vmem>>) dst(%dma_wait3A_268 : memref<100352xf32, #tpu.memory_space<vmem_shared>>)
      %dma_wait3A_269 = arith.constant 2 : i32
      %dma_wait3A_270 = arith.constant 2 : i32
      %dma_wait3A_271 = arith.constant 0 : i32
      %dma_wait3A_272 = tpu.memref_slice %arg6[%rem3A_52, %dma_wait3A_269, %dma_wait3A_271] : memref<2x16x128xf32, #tpu.memory_space<vmem>> -> memref<1x1x128xf32, #tpu.memory_space<vmem>>
      %dma_wait3A_273 = tpu.memref_squeeze %dma_wait3A_272 : memref<1x1x128xf32, #tpu.memory_space<vmem>> -> memref<128xf32, #tpu.memory_space<vmem>>
      %dma_wait3A_274 = arith.constant 0 : i32
      %dma_wait3A_275 = tpu.memref_slice %arg5[%rem3A_52, %dma_wait3A_270, %dma_wait3A_274] : memref<2x16x128xi32, #tpu.memory_space<vmem>> -> memref<1x1x128xi32, #tpu.memory_space<vmem>>
      %dma_wait3A_276 = tpu.memref_squeeze %dma_wait3A_275 : memref<1x1x128xi32, #tpu.memory_space<vmem>> -> memref<128xi32, #tpu.memory_space<vmem>>
      %dma_wait3A_277 = arith.constant 0 : i32
      %dma_wait3A_278 = tpu.memref_slice %arg8[%dma_wait3A_277] : memref<100352xf32, #tpu.memory_space<vmem_shared>> -> memref<100352xf32, #tpu.memory_space<vmem_shared>>
      tpu.wait_indirect_dma semaphore(%arg10 : memref<!tpu.dma_semaphore, #tpu.memory_space<semaphore_mem>>) src(%dma_wait3A_273 : memref<128xf32, #tpu.memory_space<vmem>>) dst(%dma_wait3A_278 : memref<100352xf32, #tpu.memory_space<vmem_shared>>)
      %dma_wait3A_279 = arith.constant 3 : i32
      %dma_wait3A_280 = arith.constant 3 : i32
      %dma_wait3A_281 = arith.constant 0 : i32
      %dma_wait3A_282 = tpu.memref_slice %arg6[%rem3A_52, %dma_wait3A_279, %dma_wait3A_281] : memref<2x16x128xf32, #tpu.memory_space<vmem>> -> memref<1x1x128xf32, #tpu.memory_space<vmem>>
      %dma_wait3A_283 = tpu.memref_squeeze %dma_wait3A_282 : memref<1x1x128xf32, #tpu.memory_space<vmem>> -> memref<128xf32, #tpu.memory_space<vmem>>
      %dma_wait3A_284 = arith.constant 0 : i32
      %dma_wait3A_285 = tpu.memref_slice %arg5[%rem3A_52, %dma_wait3A_280, %dma_wait3A_284] : memref<2x16x128xi32, #tpu.memory_space<vmem>> -> memref<1x1x128xi32, #tpu.memory_space<vmem>>
      %dma_wait3A_286 = tpu.memref_squeeze %dma_wait3A_285 : memref<1x1x128xi32, #tpu.memory_space<vmem>> -> memref<128xi32, #tpu.memory_space<vmem>>
      %dma_wait3A_287 = arith.constant 0 : i32
      %dma_wait3A_288 = tpu.memref_slice %arg8[%dma_wait3A_287] : memref<100352xf32, #tpu.memory_space<vmem_shared>> -> memref<100352xf32, #tpu.memory_space<vmem_shared>>
      tpu.wait_indirect_dma semaphore(%arg10 : memref<!tpu.dma_semaphore, #tpu.memory_space<semaphore_mem>>) src(%dma_wait3A_283 : memref<128xf32, #tpu.memory_space<vmem>>) dst(%dma_wait3A_288 : memref<100352xf32, #tpu.memory_space<vmem_shared>>)
      %dma_wait3A_289 = arith.constant 4 : i32
      %dma_wait3A_290 = arith.constant 4 : i32
      %dma_wait3A_291 = arith.constant 0 : i32
      %dma_wait3A_292 = tpu.memref_slice %arg6[%rem3A_52, %dma_wait3A_289, %dma_wait3A_291] : memref<2x16x128xf32, #tpu.memory_space<vmem>> -> memref<1x1x128xf32, #tpu.memory_space<vmem>>
      %dma_wait3A_293 = tpu.memref_squeeze %dma_wait3A_292 : memref<1x1x128xf32, #tpu.memory_space<vmem>> -> memref<128xf32, #tpu.memory_space<vmem>>
      %dma_wait3A_294 = arith.constant 0 : i32
      %dma_wait3A_295 = tpu.memref_slice %arg5[%rem3A_52, %dma_wait3A_290, %dma_wait3A_294] : memref<2x16x128xi32, #tpu.memory_space<vmem>> -> memref<1x1x128xi32, #tpu.memory_space<vmem>>
      %dma_wait3A_296 = tpu.memref_squeeze %dma_wait3A_295 : memref<1x1x128xi32, #tpu.memory_space<vmem>> -> memref<128xi32, #tpu.memory_space<vmem>>
      %dma_wait3A_297 = arith.constant 0 : i32
      %dma_wait3A_298 = tpu.memref_slice %arg8[%dma_wait3A_297] : memref<100352xf32, #tpu.memory_space<vmem_shared>> -> memref<100352xf32, #tpu.memory_space<vmem_shared>>
      tpu.wait_indirect_dma semaphore(%arg10 : memref<!tpu.dma_semaphore, #tpu.memory_space<semaphore_mem>>) src(%dma_wait3A_293 : memref<128xf32, #tpu.memory_space<vmem>>) dst(%dma_wait3A_298 : memref<100352xf32, #tpu.memory_space<vmem_shared>>)
      %dma_wait3A_299 = arith.constant 5 : i32
      %dma_wait3A_300 = arith.constant 5 : i32
      %dma_wait3A_301 = arith.constant 0 : i32
      %dma_wait3A_302 = tpu.memref_slice %arg6[%rem3A_52, %dma_wait3A_299, %dma_wait3A_301] : memref<2x16x128xf32, #tpu.memory_space<vmem>> -> memref<1x1x128xf32, #tpu.memory_space<vmem>>
      %dma_wait3A_303 = tpu.memref_squeeze %dma_wait3A_302 : memref<1x1x128xf32, #tpu.memory_space<vmem>> -> memref<128xf32, #tpu.memory_space<vmem>>
      %dma_wait3A_304 = arith.constant 0 : i32
      %dma_wait3A_305 = tpu.memref_slice %arg5[%rem3A_52, %dma_wait3A_300, %dma_wait3A_304] : memref<2x16x128xi32, #tpu.memory_space<vmem>> -> memref<1x1x128xi32, #tpu.memory_space<vmem>>
      %dma_wait3A_306 = tpu.memref_squeeze %dma_wait3A_305 : memref<1x1x128xi32, #tpu.memory_space<vmem>> -> memref<128xi32, #tpu.memory_space<vmem>>
      %dma_wait3A_307 = arith.constant 0 : i32
      %dma_wait3A_308 = tpu.memref_slice %arg8[%dma_wait3A_307] : memref<100352xf32, #tpu.memory_space<vmem_shared>> -> memref<100352xf32, #tpu.memory_space<vmem_shared>>
      tpu.wait_indirect_dma semaphore(%arg10 : memref<!tpu.dma_semaphore, #tpu.memory_space<semaphore_mem>>) src(%dma_wait3A_303 : memref<128xf32, #tpu.memory_space<vmem>>) dst(%dma_wait3A_308 : memref<100352xf32, #tpu.memory_space<vmem_shared>>)
      %dma_wait3A_309 = arith.constant 6 : i32
      %dma_wait3A_310 = arith.constant 6 : i32
      %dma_wait3A_311 = arith.constant 0 : i32
      %dma_wait3A_312 = tpu.memref_slice %arg6[%rem3A_52, %dma_wait3A_309, %dma_wait3A_311] : memref<2x16x128xf32, #tpu.memory_space<vmem>> -> memref<1x1x128xf32, #tpu.memory_space<vmem>>
      %dma_wait3A_313 = tpu.memref_squeeze %dma_wait3A_312 : memref<1x1x128xf32, #tpu.memory_space<vmem>> -> memref<128xf32, #tpu.memory_space<vmem>>
      %dma_wait3A_314 = arith.constant 0 : i32
      %dma_wait3A_315 = tpu.memref_slice %arg5[%rem3A_52, %dma_wait3A_310, %dma_wait3A_314] : memref<2x16x128xi32, #tpu.memory_space<vmem>> -> memref<1x1x128xi32, #tpu.memory_space<vmem>>
      %dma_wait3A_316 = tpu.memref_squeeze %dma_wait3A_315 : memref<1x1x128xi32, #tpu.memory_space<vmem>> -> memref<128xi32, #tpu.memory_space<vmem>>
      %dma_wait3A_317 = arith.constant 0 : i32
      %dma_wait3A_318 = tpu.memref_slice %arg8[%dma_wait3A_317] : memref<100352xf32, #tpu.memory_space<vmem_shared>> -> memref<100352xf32, #tpu.memory_space<vmem_shared>>
      tpu.wait_indirect_dma semaphore(%arg10 : memref<!tpu.dma_semaphore, #tpu.memory_space<semaphore_mem>>) src(%dma_wait3A_313 : memref<128xf32, #tpu.memory_space<vmem>>) dst(%dma_wait3A_318 : memref<100352xf32, #tpu.memory_space<vmem_shared>>)
      %dma_wait3A_319 = arith.constant 7 : i32
      %dma_wait3A_320 = arith.constant 7 : i32
      %dma_wait3A_321 = arith.constant 0 : i32
      %dma_wait3A_322 = tpu.memref_slice %arg6[%rem3A_52, %dma_wait3A_319, %dma_wait3A_321] : memref<2x16x128xf32, #tpu.memory_space<vmem>> -> memref<1x1x128xf32, #tpu.memory_space<vmem>>
      %dma_wait3A_323 = tpu.memref_squeeze %dma_wait3A_322 : memref<1x1x128xf32, #tpu.memory_space<vmem>> -> memref<128xf32, #tpu.memory_space<vmem>>
      %dma_wait3A_324 = arith.constant 0 : i32
      %dma_wait3A_325 = tpu.memref_slice %arg5[%rem3A_52, %dma_wait3A_320, %dma_wait3A_324] : memref<2x16x128xi32, #tpu.memory_space<vmem>> -> memref<1x1x128xi32, #tpu.memory_space<vmem>>
      %dma_wait3A_326 = tpu.memref_squeeze %dma_wait3A_325 : memref<1x1x128xi32, #tpu.memory_space<vmem>> -> memref<128xi32, #tpu.memory_space<vmem>>
      %dma_wait3A_327 = arith.constant 0 : i32
      %dma_wait3A_328 = tpu.memref_slice %arg8[%dma_wait3A_327] : memref<100352xf32, #tpu.memory_space<vmem_shared>> -> memref<100352xf32, #tpu.memory_space<vmem_shared>>
      tpu.wait_indirect_dma semaphore(%arg10 : memref<!tpu.dma_semaphore, #tpu.memory_space<semaphore_mem>>) src(%dma_wait3A_323 : memref<128xf32, #tpu.memory_space<vmem>>) dst(%dma_wait3A_328 : memref<100352xf32, #tpu.memory_space<vmem_shared>>)
      %dma_wait3A_329 = arith.constant 8 : i32
      %dma_wait3A_330 = arith.constant 8 : i32
      %dma_wait3A_331 = arith.constant 0 : i32
      %dma_wait3A_332 = tpu.memref_slice %arg6[%rem3A_52, %dma_wait3A_329, %dma_wait3A_331] : memref<2x16x128xf32, #tpu.memory_space<vmem>> -> memref<1x1x128xf32, #tpu.memory_space<vmem>>
      %dma_wait3A_333 = tpu.memref_squeeze %dma_wait3A_332 : memref<1x1x128xf32, #tpu.memory_space<vmem>> -> memref<128xf32, #tpu.memory_space<vmem>>
      %dma_wait3A_334 = arith.constant 0 : i32
      %dma_wait3A_335 = tpu.memref_slice %arg5[%rem3A_52, %dma_wait3A_330, %dma_wait3A_334] : memref<2x16x128xi32, #tpu.memory_space<vmem>> -> memref<1x1x128xi32, #tpu.memory_space<vmem>>
      %dma_wait3A_336 = tpu.memref_squeeze %dma_wait3A_335 : memref<1x1x128xi32, #tpu.memory_space<vmem>> -> memref<128xi32, #tpu.memory_space<vmem>>
      %dma_wait3A_337 = arith.constant 0 : i32
      %dma_wait3A_338 = tpu.memref_slice %arg8[%dma_wait3A_337] : memref<100352xf32, #tpu.memory_space<vmem_shared>> -> memref<100352xf32, #tpu.memory_space<vmem_shared>>
      tpu.wait_indirect_dma semaphore(%arg10 : memref<!tpu.dma_semaphore, #tpu.memory_space<semaphore_mem>>) src(%dma_wait3A_333 : memref<128xf32, #tpu.memory_space<vmem>>) dst(%dma_wait3A_338 : memref<100352xf32, #tpu.memory_space<vmem_shared>>)
      %dma_wait3A_339 = arith.constant 9 : i32
      %dma_wait3A_340 = arith.constant 9 : i32
      %dma_wait3A_341 = arith.constant 0 : i32
      %dma_wait3A_342 = tpu.memref_slice %arg6[%rem3A_52, %dma_wait3A_339, %dma_wait3A_341] : memref<2x16x128xf32, #tpu.memory_space<vmem>> -> memref<1x1x128xf32, #tpu.memory_space<vmem>>
      %dma_wait3A_343 = tpu.memref_squeeze %dma_wait3A_342 : memref<1x1x128xf32, #tpu.memory_space<vmem>> -> memref<128xf32, #tpu.memory_space<vmem>>
      %dma_wait3A_344 = arith.constant 0 : i32
      %dma_wait3A_345 = tpu.memref_slice %arg5[%rem3A_52, %dma_wait3A_340, %dma_wait3A_344] : memref<2x16x128xi32, #tpu.memory_space<vmem>> -> memref<1x1x128xi32, #tpu.memory_space<vmem>>
      %dma_wait3A_346 = tpu.memref_squeeze %dma_wait3A_345 : memref<1x1x128xi32, #tpu.memory_space<vmem>> -> memref<128xi32, #tpu.memory_space<vmem>>
      %dma_wait3A_347 = arith.constant 0 : i32
      %dma_wait3A_348 = tpu.memref_slice %arg8[%dma_wait3A_347] : memref<100352xf32, #tpu.memory_space<vmem_shared>> -> memref<100352xf32, #tpu.memory_space<vmem_shared>>
      tpu.wait_indirect_dma semaphore(%arg10 : memref<!tpu.dma_semaphore, #tpu.memory_space<semaphore_mem>>) src(%dma_wait3A_343 : memref<128xf32, #tpu.memory_space<vmem>>) dst(%dma_wait3A_348 : memref<100352xf32, #tpu.memory_space<vmem_shared>>)
      %dma_wait3A_349 = arith.constant 10 : i32
      %dma_wait3A_350 = arith.constant 10 : i32
      %dma_wait3A_351 = arith.constant 0 : i32
      %dma_wait3A_352 = tpu.memref_slice %arg6[%rem3A_52, %dma_wait3A_349, %dma_wait3A_351] : memref<2x16x128xf32, #tpu.memory_space<vmem>> -> memref<1x1x128xf32, #tpu.memory_space<vmem>>
      %dma_wait3A_353 = tpu.memref_squeeze %dma_wait3A_352 : memref<1x1x128xf32, #tpu.memory_space<vmem>> -> memref<128xf32, #tpu.memory_space<vmem>>
      %dma_wait3A_354 = arith.constant 0 : i32
      %dma_wait3A_355 = tpu.memref_slice %arg5[%rem3A_52, %dma_wait3A_350, %dma_wait3A_354] : memref<2x16x128xi32, #tpu.memory_space<vmem>> -> memref<1x1x128xi32, #tpu.memory_space<vmem>>
      %dma_wait3A_356 = tpu.memref_squeeze %dma_wait3A_355 : memref<1x1x128xi32, #tpu.memory_space<vmem>> -> memref<128xi32, #tpu.memory_space<vmem>>
      %dma_wait3A_357 = arith.constant 0 : i32
      %dma_wait3A_358 = tpu.memref_slice %arg8[%dma_wait3A_357] : memref<100352xf32, #tpu.memory_space<vmem_shared>> -> memref<100352xf32, #tpu.memory_space<vmem_shared>>
      tpu.wait_indirect_dma semaphore(%arg10 : memref<!tpu.dma_semaphore, #tpu.memory_space<semaphore_mem>>) src(%dma_wait3A_353 : memref<128xf32, #tpu.memory_space<vmem>>) dst(%dma_wait3A_358 : memref<100352xf32, #tpu.memory_space<vmem_shared>>)
      %dma_wait3A_359 = arith.constant 11 : i32
      %dma_wait3A_360 = arith.constant 11 : i32
      %dma_wait3A_361 = arith.constant 0 : i32
      %dma_wait3A_362 = tpu.memref_slice %arg6[%rem3A_52, %dma_wait3A_359, %dma_wait3A_361] : memref<2x16x128xf32, #tpu.memory_space<vmem>> -> memref<1x1x128xf32, #tpu.memory_space<vmem>>
      %dma_wait3A_363 = tpu.memref_squeeze %dma_wait3A_362 : memref<1x1x128xf32, #tpu.memory_space<vmem>> -> memref<128xf32, #tpu.memory_space<vmem>>
      %dma_wait3A_364 = arith.constant 0 : i32
      %dma_wait3A_365 = tpu.memref_slice %arg5[%rem3A_52, %dma_wait3A_360, %dma_wait3A_364] : memref<2x16x128xi32, #tpu.memory_space<vmem>> -> memref<1x1x128xi32, #tpu.memory_space<vmem>>
      %dma_wait3A_366 = tpu.memref_squeeze %dma_wait3A_365 : memref<1x1x128xi32, #tpu.memory_space<vmem>> -> memref<128xi32, #tpu.memory_space<vmem>>
      %dma_wait3A_367 = arith.constant 0 : i32
      %dma_wait3A_368 = tpu.memref_slice %arg8[%dma_wait3A_367] : memref<100352xf32, #tpu.memory_space<vmem_shared>> -> memref<100352xf32, #tpu.memory_space<vmem_shared>>
      tpu.wait_indirect_dma semaphore(%arg10 : memref<!tpu.dma_semaphore, #tpu.memory_space<semaphore_mem>>) src(%dma_wait3A_363 : memref<128xf32, #tpu.memory_space<vmem>>) dst(%dma_wait3A_368 : memref<100352xf32, #tpu.memory_space<vmem_shared>>)
      %dma_wait3A_369 = arith.constant 12 : i32
      %dma_wait3A_370 = arith.constant 12 : i32
      %dma_wait3A_371 = arith.constant 0 : i32
      %dma_wait3A_372 = tpu.memref_slice %arg6[%rem3A_52, %dma_wait3A_369, %dma_wait3A_371] : memref<2x16x128xf32, #tpu.memory_space<vmem>> -> memref<1x1x128xf32, #tpu.memory_space<vmem>>
      %dma_wait3A_373 = tpu.memref_squeeze %dma_wait3A_372 : memref<1x1x128xf32, #tpu.memory_space<vmem>> -> memref<128xf32, #tpu.memory_space<vmem>>
      %dma_wait3A_374 = arith.constant 0 : i32
      %dma_wait3A_375 = tpu.memref_slice %arg5[%rem3A_52, %dma_wait3A_370, %dma_wait3A_374] : memref<2x16x128xi32, #tpu.memory_space<vmem>> -> memref<1x1x128xi32, #tpu.memory_space<vmem>>
      %dma_wait3A_376 = tpu.memref_squeeze %dma_wait3A_375 : memref<1x1x128xi32, #tpu.memory_space<vmem>> -> memref<128xi32, #tpu.memory_space<vmem>>
      %dma_wait3A_377 = arith.constant 0 : i32
      %dma_wait3A_378 = tpu.memref_slice %arg8[%dma_wait3A_377] : memref<100352xf32, #tpu.memory_space<vmem_shared>> -> memref<100352xf32, #tpu.memory_space<vmem_shared>>
      tpu.wait_indirect_dma semaphore(%arg10 : memref<!tpu.dma_semaphore, #tpu.memory_space<semaphore_mem>>) src(%dma_wait3A_373 : memref<128xf32, #tpu.memory_space<vmem>>) dst(%dma_wait3A_378 : memref<100352xf32, #tpu.memory_space<vmem_shared>>)
      %dma_wait3A_379 = arith.constant 13 : i32
      %dma_wait3A_380 = arith.constant 13 : i32
      %dma_wait3A_381 = arith.constant 0 : i32
      %dma_wait3A_382 = tpu.memref_slice %arg6[%rem3A_52, %dma_wait3A_379, %dma_wait3A_381] : memref<2x16x128xf32, #tpu.memory_space<vmem>> -> memref<1x1x128xf32, #tpu.memory_space<vmem>>
      %dma_wait3A_383 = tpu.memref_squeeze %dma_wait3A_382 : memref<1x1x128xf32, #tpu.memory_space<vmem>> -> memref<128xf32, #tpu.memory_space<vmem>>
      %dma_wait3A_384 = arith.constant 0 : i32
      %dma_wait3A_385 = tpu.memref_slice %arg5[%rem3A_52, %dma_wait3A_380, %dma_wait3A_384] : memref<2x16x128xi32, #tpu.memory_space<vmem>> -> memref<1x1x128xi32, #tpu.memory_space<vmem>>
      %dma_wait3A_386 = tpu.memref_squeeze %dma_wait3A_385 : memref<1x1x128xi32, #tpu.memory_space<vmem>> -> memref<128xi32, #tpu.memory_space<vmem>>
      %dma_wait3A_387 = arith.constant 0 : i32
      %dma_wait3A_388 = tpu.memref_slice %arg8[%dma_wait3A_387] : memref<100352xf32, #tpu.memory_space<vmem_shared>> -> memref<100352xf32, #tpu.memory_space<vmem_shared>>
      tpu.wait_indirect_dma semaphore(%arg10 : memref<!tpu.dma_semaphore, #tpu.memory_space<semaphore_mem>>) src(%dma_wait3A_383 : memref<128xf32, #tpu.memory_space<vmem>>) dst(%dma_wait3A_388 : memref<100352xf32, #tpu.memory_space<vmem_shared>>)
      %dma_wait3A_389 = arith.constant 14 : i32
      %dma_wait3A_390 = arith.constant 14 : i32
      %dma_wait3A_391 = arith.constant 0 : i32
      %dma_wait3A_392 = tpu.memref_slice %arg6[%rem3A_52, %dma_wait3A_389, %dma_wait3A_391] : memref<2x16x128xf32, #tpu.memory_space<vmem>> -> memref<1x1x128xf32, #tpu.memory_space<vmem>>
      %dma_wait3A_393 = tpu.memref_squeeze %dma_wait3A_392 : memref<1x1x128xf32, #tpu.memory_space<vmem>> -> memref<128xf32, #tpu.memory_space<vmem>>
      %dma_wait3A_394 = arith.constant 0 : i32
      %dma_wait3A_395 = tpu.memref_slice %arg5[%rem3A_52, %dma_wait3A_390, %dma_wait3A_394] : memref<2x16x128xi32, #tpu.memory_space<vmem>> -> memref<1x1x128xi32, #tpu.memory_space<vmem>>
      %dma_wait3A_396 = tpu.memref_squeeze %dma_wait3A_395 : memref<1x1x128xi32, #tpu.memory_space<vmem>> -> memref<128xi32, #tpu.memory_space<vmem>>
      %dma_wait3A_397 = arith.constant 0 : i32
      %dma_wait3A_398 = tpu.memref_slice %arg8[%dma_wait3A_397] : memref<100352xf32, #tpu.memory_space<vmem_shared>> -> memref<100352xf32, #tpu.memory_space<vmem_shared>>
      tpu.wait_indirect_dma semaphore(%arg10 : memref<!tpu.dma_semaphore, #tpu.memory_space<semaphore_mem>>) src(%dma_wait3A_393 : memref<128xf32, #tpu.memory_space<vmem>>) dst(%dma_wait3A_398 : memref<100352xf32, #tpu.memory_space<vmem_shared>>)
      %dma_wait3A_399 = arith.constant 15 : i32
      %dma_wait3A_400 = arith.constant 15 : i32
      %dma_wait3A_401 = arith.constant 0 : i32
      %dma_wait3A_402 = tpu.memref_slice %arg6[%rem3A_52, %dma_wait3A_399, %dma_wait3A_401] : memref<2x16x128xf32, #tpu.memory_space<vmem>> -> memref<1x1x128xf32, #tpu.memory_space<vmem>>
      %dma_wait3A_403 = tpu.memref_squeeze %dma_wait3A_402 : memref<1x1x128xf32, #tpu.memory_space<vmem>> -> memref<128xf32, #tpu.memory_space<vmem>>
      %dma_wait3A_404 = arith.constant 0 : i32
      %dma_wait3A_405 = tpu.memref_slice %arg5[%rem3A_52, %dma_wait3A_400, %dma_wait3A_404] : memref<2x16x128xi32, #tpu.memory_space<vmem>> -> memref<1x1x128xi32, #tpu.memory_space<vmem>>
      %dma_wait3A_406 = tpu.memref_squeeze %dma_wait3A_405 : memref<1x1x128xi32, #tpu.memory_space<vmem>> -> memref<128xi32, #tpu.memory_space<vmem>>
      %dma_wait3A_407 = arith.constant 0 : i32
      %dma_wait3A_408 = tpu.memref_slice %arg8[%dma_wait3A_407] : memref<100352xf32, #tpu.memory_space<vmem_shared>> -> memref<100352xf32, #tpu.memory_space<vmem_shared>>
      tpu.wait_indirect_dma semaphore(%arg10 : memref<!tpu.dma_semaphore, #tpu.memory_space<semaphore_mem>>) src(%dma_wait3A_403 : memref<128xf32, #tpu.memory_space<vmem>>) dst(%dma_wait3A_408 : memref<100352xf32, #tpu.memory_space<vmem_shared>>)
    }
    %scan3A_41 = arith.constant 24 : i32
    %add3A_42 = arith.constant 384 : i32
    %add3A_43 = arith.addi %add3A_11, %add3A_42 : i32
    %lt3A = arith.constant 20 : i32
    %lt3A_44 = arith.cmpi slt, %add3A, %lt3A : i32
    %convert_element_type3A = arith.extui %lt3A_44 : i1 to i32
    %cond3A = arith.constant 0 : i32
    %cond3A_45 = arith.cmpi ne, %convert_element_type3A, %cond3A : i32
    scf.if %cond3A_45 {
      %run_scoped3A = arith.constant 0 : i32
      "tpu.region"() ({
        %run_scoped3A_219 = tpu.sem_alloc : memref<!tpu.dma_semaphore, #tpu.memory_space<semaphore_mem>>
        %dma_start3A_220 = arith.constant 0 : i32
        %dma_start3A_221 = arith.constant 0 : i32
        %dma_start3A_222 = tpu.memref_slice %arg5[%run_scoped3A, %dma_start3A_220, %dma_start3A_221] : memref<2x16x128xi32, #tpu.memory_space<vmem>> -> memref<1x7x128xi32, #tpu.memory_space<vmem>>
        %dma_start3A_223 = tpu.memref_squeeze %dma_start3A_222 : memref<1x7x128xi32, #tpu.memory_space<vmem>> -> memref<7x128xi32, #tpu.memory_space<vmem>>
        %dma_start3A_224 = arith.constant 0 : i32
        %dma_start3A_225 = tpu.memref_slice %arg3[%add3A_43, %dma_start3A_224] : memref<12500x128xi32, #tpu.memory_space<hbm>> -> memref<7x128xi32, #tpu.memory_space<hbm>>
        %dma_start3A_226 = arith.constant 0 : i32
        %dma_start3A_227 = arith.constant 0 : i32
        %dma_start3A_228 = tpu.memref_slice %arg5[%run_scoped3A, %dma_start3A_226, %dma_start3A_227] : memref<2x16x128xi32, #tpu.memory_space<vmem>> -> memref<1x7x128xi32, #tpu.memory_space<vmem>>
        %dma_start3A_229 = tpu.memref_squeeze %dma_start3A_228 : memref<1x7x128xi32, #tpu.memory_space<vmem>> -> memref<7x128xi32, #tpu.memory_space<vmem>>
        %dma_start3A_230 = arith.constant 0 : i32
        %dma_start3A_231 = tpu.memref_slice %arg3[%add3A_43, %dma_start3A_230] : memref<12500x128xi32, #tpu.memory_space<hbm>> -> memref<7x128xi32, #tpu.memory_space<hbm>>
        tpu.enqueue_dma source(%dma_start3A_231 : memref<7x128xi32, #tpu.memory_space<hbm>>) target(%dma_start3A_229 : memref<7x128xi32, #tpu.memory_space<vmem>>) target_semaphore(%run_scoped3A_219 : memref<!tpu.dma_semaphore, #tpu.memory_space<semaphore_mem>>)
        %dma_wait3A_232 = arith.constant 0 : i32
        %dma_wait3A_233 = arith.constant 0 : i32
        %dma_wait3A_234 = tpu.memref_slice %arg5[%run_scoped3A, %dma_wait3A_232, %dma_wait3A_233] : memref<2x16x128xi32, #tpu.memory_space<vmem>> -> memref<1x7x128xi32, #tpu.memory_space<vmem>>
        %dma_wait3A_235 = tpu.memref_squeeze %dma_wait3A_234 : memref<1x7x128xi32, #tpu.memory_space<vmem>> -> memref<7x128xi32, #tpu.memory_space<vmem>>
        %dma_wait3A_236 = arith.constant 0 : i32
        %dma_wait3A_237 = tpu.memref_slice %arg3[%add3A_43, %dma_wait3A_236] : memref<12500x128xi32, #tpu.memory_space<hbm>> -> memref<7x128xi32, #tpu.memory_space<hbm>>
        %dma_wait3A_238 = arith.constant 0 : i32
        %dma_wait3A_239 = arith.constant 0 : i32
        %dma_wait3A_240 = tpu.memref_slice %arg5[%run_scoped3A, %dma_wait3A_238, %dma_wait3A_239] : memref<2x16x128xi32, #tpu.memory_space<vmem>> -> memref<1x7x128xi32, #tpu.memory_space<vmem>>
        %dma_wait3A_241 = tpu.memref_squeeze %dma_wait3A_240 : memref<1x7x128xi32, #tpu.memory_space<vmem>> -> memref<7x128xi32, #tpu.memory_space<vmem>>
        %dma_wait3A_242 = arith.constant 0 : i32
        %dma_wait3A_243 = tpu.memref_slice %arg3[%add3A_43, %dma_wait3A_242] : memref<12500x128xi32, #tpu.memory_space<hbm>> -> memref<7x128xi32, #tpu.memory_space<hbm>>
        tpu.wait_dma2 semaphore(%run_scoped3A_219 : memref<!tpu.dma_semaphore, #tpu.memory_space<semaphore_mem>>) src(%dma_wait3A_243 : memref<7x128xi32, #tpu.memory_space<hbm>>) dst(%dma_wait3A_241 : memref<7x128xi32, #tpu.memory_space<vmem>>)
        tpu.yield
      }) : () -> ()
      %run_scoped3A_51 = arith.constant 0 : i32
      "tpu.region"() ({
        %run_scoped3A_219 = tpu.sem_alloc : memref<!tpu.dma_semaphore, #tpu.memory_space<semaphore_mem>>
        %dma_start3A_220 = arith.constant 0 : i32
        %dma_start3A_221 = arith.constant 0 : i32
        %dma_start3A_222 = tpu.memref_slice %arg6[%run_scoped3A_51, %dma_start3A_220, %dma_start3A_221] : memref<2x16x128xf32, #tpu.memory_space<vmem>> -> memref<1x7x128xf32, #tpu.memory_space<vmem>>
        %dma_start3A_223 = tpu.memref_squeeze %dma_start3A_222 : memref<1x7x128xf32, #tpu.memory_space<vmem>> -> memref<7x128xf32, #tpu.memory_space<vmem>>
        %dma_start3A_224 = arith.constant 0 : i32
        %dma_start3A_225 = tpu.memref_slice %arg2[%add3A_43, %dma_start3A_224] : memref<12500x128xf32, #tpu.memory_space<hbm>> -> memref<7x128xf32, #tpu.memory_space<hbm>>
        %dma_start3A_226 = arith.constant 0 : i32
        %dma_start3A_227 = arith.constant 0 : i32
        %dma_start3A_228 = tpu.memref_slice %arg6[%run_scoped3A_51, %dma_start3A_226, %dma_start3A_227] : memref<2x16x128xf32, #tpu.memory_space<vmem>> -> memref<1x7x128xf32, #tpu.memory_space<vmem>>
        %dma_start3A_229 = tpu.memref_squeeze %dma_start3A_228 : memref<1x7x128xf32, #tpu.memory_space<vmem>> -> memref<7x128xf32, #tpu.memory_space<vmem>>
        %dma_start3A_230 = arith.constant 0 : i32
        %dma_start3A_231 = tpu.memref_slice %arg2[%add3A_43, %dma_start3A_230] : memref<12500x128xf32, #tpu.memory_space<hbm>> -> memref<7x128xf32, #tpu.memory_space<hbm>>
        tpu.enqueue_dma source(%dma_start3A_231 : memref<7x128xf32, #tpu.memory_space<hbm>>) target(%dma_start3A_229 : memref<7x128xf32, #tpu.memory_space<vmem>>) target_semaphore(%run_scoped3A_219 : memref<!tpu.dma_semaphore, #tpu.memory_space<semaphore_mem>>)
        %dma_wait3A_232 = arith.constant 0 : i32
        %dma_wait3A_233 = arith.constant 0 : i32
        %dma_wait3A_234 = tpu.memref_slice %arg6[%run_scoped3A_51, %dma_wait3A_232, %dma_wait3A_233] : memref<2x16x128xf32, #tpu.memory_space<vmem>> -> memref<1x7x128xf32, #tpu.memory_space<vmem>>
        %dma_wait3A_235 = tpu.memref_squeeze %dma_wait3A_234 : memref<1x7x128xf32, #tpu.memory_space<vmem>> -> memref<7x128xf32, #tpu.memory_space<vmem>>
        %dma_wait3A_236 = arith.constant 0 : i32
        %dma_wait3A_237 = tpu.memref_slice %arg2[%add3A_43, %dma_wait3A_236] : memref<12500x128xf32, #tpu.memory_space<hbm>> -> memref<7x128xf32, #tpu.memory_space<hbm>>
        %dma_wait3A_238 = arith.constant 0 : i32
        %dma_wait3A_239 = arith.constant 0 : i32
        %dma_wait3A_240 = tpu.memref_slice %arg6[%run_scoped3A_51, %dma_wait3A_238, %dma_wait3A_239] : memref<2x16x128xf32, #tpu.memory_space<vmem>> -> memref<1x7x128xf32, #tpu.memory_space<vmem>>
        %dma_wait3A_241 = tpu.memref_squeeze %dma_wait3A_240 : memref<1x7x128xf32, #tpu.memory_space<vmem>> -> memref<7x128xf32, #tpu.memory_space<vmem>>
        %dma_wait3A_242 = arith.constant 0 : i32
        %dma_wait3A_243 = tpu.memref_slice %arg2[%add3A_43, %dma_wait3A_242] : memref<12500x128xf32, #tpu.memory_space<hbm>> -> memref<7x128xf32, #tpu.memory_space<hbm>>
        tpu.wait_dma2 semaphore(%run_scoped3A_219 : memref<!tpu.dma_semaphore, #tpu.memory_space<semaphore_mem>>) src(%dma_wait3A_243 : memref<7x128xf32, #tpu.memory_space<hbm>>) dst(%dma_wait3A_241 : memref<7x128xf32, #tpu.memory_space<vmem>>)
        tpu.yield
      }) : () -> ()
      %dma_start3A_52 = arith.constant 0 : i32
      %dma_start3A_53 = arith.constant 0 : i32
      %dma_start3A_54 = arith.constant 0 : i32
      %dma_start3A_55 = arith.constant 0 : i32
      %dma_start3A_56 = arith.constant 0 : i32
      %dma_start3A_57 = tpu.memref_slice %arg6[%dma_start3A_52, %dma_start3A_53, %dma_start3A_56] : memref<2x16x128xf32, #tpu.memory_space<vmem>> -> memref<1x1x128xf32, #tpu.memory_space<vmem>>
      %dma_start3A_58 = tpu.memref_squeeze %dma_start3A_57 : memref<1x1x128xf32, #tpu.memory_space<vmem>> -> memref<128xf32, #tpu.memory_space<vmem>>
      %dma_start3A_59 = arith.constant 0 : i32
      %dma_start3A_60 = tpu.memref_slice %arg5[%dma_start3A_54, %dma_start3A_55, %dma_start3A_59] : memref<2x16x128xi32, #tpu.memory_space<vmem>> -> memref<1x1x128xi32, #tpu.memory_space<vmem>>
      %dma_start3A_61 = tpu.memref_squeeze %dma_start3A_60 : memref<1x1x128xi32, #tpu.memory_space<vmem>> -> memref<128xi32, #tpu.memory_space<vmem>>
      %dma_start3A_62 = arith.constant 0 : i32
      %dma_start3A_63 = tpu.memref_slice %arg8[%dma_start3A_62] : memref<100352xf32, #tpu.memory_space<vmem_shared>> -> memref<100352xf32, #tpu.memory_space<vmem_shared>>
      tpu.enqueue_indirect_dma source(%dma_start3A_58 : memref<128xf32, #tpu.memory_space<vmem>>) target(%dma_start3A_63 : memref<100352xf32, #tpu.memory_space<vmem_shared>>) offsets(%dma_start3A_61 : memref<128xi32, #tpu.memory_space<vmem>>) semaphore(%arg10 : memref<!tpu.dma_semaphore, #tpu.memory_space<semaphore_mem>>) {add = true}
      %dma_start3A_64 = arith.constant 0 : i32
      %dma_start3A_65 = arith.constant 1 : i32
      %dma_start3A_66 = arith.constant 0 : i32
      %dma_start3A_67 = arith.constant 1 : i32
      %dma_start3A_68 = arith.constant 0 : i32
      %dma_start3A_69 = tpu.memref_slice %arg6[%dma_start3A_64, %dma_start3A_65, %dma_start3A_68] : memref<2x16x128xf32, #tpu.memory_space<vmem>> -> memref<1x1x128xf32, #tpu.memory_space<vmem>>
      %dma_start3A_70 = tpu.memref_squeeze %dma_start3A_69 : memref<1x1x128xf32, #tpu.memory_space<vmem>> -> memref<128xf32, #tpu.memory_space<vmem>>
      %dma_start3A_71 = arith.constant 0 : i32
      %dma_start3A_72 = tpu.memref_slice %arg5[%dma_start3A_66, %dma_start3A_67, %dma_start3A_71] : memref<2x16x128xi32, #tpu.memory_space<vmem>> -> memref<1x1x128xi32, #tpu.memory_space<vmem>>
      %dma_start3A_73 = tpu.memref_squeeze %dma_start3A_72 : memref<1x1x128xi32, #tpu.memory_space<vmem>> -> memref<128xi32, #tpu.memory_space<vmem>>
      %dma_start3A_74 = arith.constant 0 : i32
      %dma_start3A_75 = tpu.memref_slice %arg8[%dma_start3A_74] : memref<100352xf32, #tpu.memory_space<vmem_shared>> -> memref<100352xf32, #tpu.memory_space<vmem_shared>>
      tpu.enqueue_indirect_dma source(%dma_start3A_70 : memref<128xf32, #tpu.memory_space<vmem>>) target(%dma_start3A_75 : memref<100352xf32, #tpu.memory_space<vmem_shared>>) offsets(%dma_start3A_73 : memref<128xi32, #tpu.memory_space<vmem>>) semaphore(%arg10 : memref<!tpu.dma_semaphore, #tpu.memory_space<semaphore_mem>>) {add = true}
      %dma_start3A_76 = arith.constant 0 : i32
      %dma_start3A_77 = arith.constant 2 : i32
      %dma_start3A_78 = arith.constant 0 : i32
      %dma_start3A_79 = arith.constant 2 : i32
      %dma_start3A_80 = arith.constant 0 : i32
      %dma_start3A_81 = tpu.memref_slice %arg6[%dma_start3A_76, %dma_start3A_77, %dma_start3A_80] : memref<2x16x128xf32, #tpu.memory_space<vmem>> -> memref<1x1x128xf32, #tpu.memory_space<vmem>>
      %dma_start3A_82 = tpu.memref_squeeze %dma_start3A_81 : memref<1x1x128xf32, #tpu.memory_space<vmem>> -> memref<128xf32, #tpu.memory_space<vmem>>
      %dma_start3A_83 = arith.constant 0 : i32
      %dma_start3A_84 = tpu.memref_slice %arg5[%dma_start3A_78, %dma_start3A_79, %dma_start3A_83] : memref<2x16x128xi32, #tpu.memory_space<vmem>> -> memref<1x1x128xi32, #tpu.memory_space<vmem>>
      %dma_start3A_85 = tpu.memref_squeeze %dma_start3A_84 : memref<1x1x128xi32, #tpu.memory_space<vmem>> -> memref<128xi32, #tpu.memory_space<vmem>>
      %dma_start3A_86 = arith.constant 0 : i32
      %dma_start3A_87 = tpu.memref_slice %arg8[%dma_start3A_86] : memref<100352xf32, #tpu.memory_space<vmem_shared>> -> memref<100352xf32, #tpu.memory_space<vmem_shared>>
      tpu.enqueue_indirect_dma source(%dma_start3A_82 : memref<128xf32, #tpu.memory_space<vmem>>) target(%dma_start3A_87 : memref<100352xf32, #tpu.memory_space<vmem_shared>>) offsets(%dma_start3A_85 : memref<128xi32, #tpu.memory_space<vmem>>) semaphore(%arg10 : memref<!tpu.dma_semaphore, #tpu.memory_space<semaphore_mem>>) {add = true}
      %dma_start3A_88 = arith.constant 0 : i32
      %dma_start3A_89 = arith.constant 3 : i32
      %dma_start3A_90 = arith.constant 0 : i32
      %dma_start3A_91 = arith.constant 3 : i32
      %dma_start3A_92 = arith.constant 0 : i32
      %dma_start3A_93 = tpu.memref_slice %arg6[%dma_start3A_88, %dma_start3A_89, %dma_start3A_92] : memref<2x16x128xf32, #tpu.memory_space<vmem>> -> memref<1x1x128xf32, #tpu.memory_space<vmem>>
      %dma_start3A_94 = tpu.memref_squeeze %dma_start3A_93 : memref<1x1x128xf32, #tpu.memory_space<vmem>> -> memref<128xf32, #tpu.memory_space<vmem>>
      %dma_start3A_95 = arith.constant 0 : i32
      %dma_start3A_96 = tpu.memref_slice %arg5[%dma_start3A_90, %dma_start3A_91, %dma_start3A_95] : memref<2x16x128xi32, #tpu.memory_space<vmem>> -> memref<1x1x128xi32, #tpu.memory_space<vmem>>
      %dma_start3A_97 = tpu.memref_squeeze %dma_start3A_96 : memref<1x1x128xi32, #tpu.memory_space<vmem>> -> memref<128xi32, #tpu.memory_space<vmem>>
      %dma_start3A_98 = arith.constant 0 : i32
      %dma_start3A_99 = tpu.memref_slice %arg8[%dma_start3A_98] : memref<100352xf32, #tpu.memory_space<vmem_shared>> -> memref<100352xf32, #tpu.memory_space<vmem_shared>>
      tpu.enqueue_indirect_dma source(%dma_start3A_94 : memref<128xf32, #tpu.memory_space<vmem>>) target(%dma_start3A_99 : memref<100352xf32, #tpu.memory_space<vmem_shared>>) offsets(%dma_start3A_97 : memref<128xi32, #tpu.memory_space<vmem>>) semaphore(%arg10 : memref<!tpu.dma_semaphore, #tpu.memory_space<semaphore_mem>>) {add = true}
      %dma_start3A_100 = arith.constant 0 : i32
      %dma_start3A_101 = arith.constant 4 : i32
      %dma_start3A_102 = arith.constant 0 : i32
      %dma_start3A_103 = arith.constant 4 : i32
      %dma_start3A_104 = arith.constant 0 : i32
      %dma_start3A_105 = tpu.memref_slice %arg6[%dma_start3A_100, %dma_start3A_101, %dma_start3A_104] : memref<2x16x128xf32, #tpu.memory_space<vmem>> -> memref<1x1x128xf32, #tpu.memory_space<vmem>>
      %dma_start3A_106 = tpu.memref_squeeze %dma_start3A_105 : memref<1x1x128xf32, #tpu.memory_space<vmem>> -> memref<128xf32, #tpu.memory_space<vmem>>
      %dma_start3A_107 = arith.constant 0 : i32
      %dma_start3A_108 = tpu.memref_slice %arg5[%dma_start3A_102, %dma_start3A_103, %dma_start3A_107] : memref<2x16x128xi32, #tpu.memory_space<vmem>> -> memref<1x1x128xi32, #tpu.memory_space<vmem>>
      %dma_start3A_109 = tpu.memref_squeeze %dma_start3A_108 : memref<1x1x128xi32, #tpu.memory_space<vmem>> -> memref<128xi32, #tpu.memory_space<vmem>>
      %dma_start3A_110 = arith.constant 0 : i32
      %dma_start3A_111 = tpu.memref_slice %arg8[%dma_start3A_110] : memref<100352xf32, #tpu.memory_space<vmem_shared>> -> memref<100352xf32, #tpu.memory_space<vmem_shared>>
      tpu.enqueue_indirect_dma source(%dma_start3A_106 : memref<128xf32, #tpu.memory_space<vmem>>) target(%dma_start3A_111 : memref<100352xf32, #tpu.memory_space<vmem_shared>>) offsets(%dma_start3A_109 : memref<128xi32, #tpu.memory_space<vmem>>) semaphore(%arg10 : memref<!tpu.dma_semaphore, #tpu.memory_space<semaphore_mem>>) {add = true}
      %dma_start3A_112 = arith.constant 0 : i32
      %dma_start3A_113 = arith.constant 5 : i32
      %dma_start3A_114 = arith.constant 0 : i32
      %dma_start3A_115 = arith.constant 5 : i32
      %dma_start3A_116 = arith.constant 0 : i32
      %dma_start3A_117 = tpu.memref_slice %arg6[%dma_start3A_112, %dma_start3A_113, %dma_start3A_116] : memref<2x16x128xf32, #tpu.memory_space<vmem>> -> memref<1x1x128xf32, #tpu.memory_space<vmem>>
      %dma_start3A_118 = tpu.memref_squeeze %dma_start3A_117 : memref<1x1x128xf32, #tpu.memory_space<vmem>> -> memref<128xf32, #tpu.memory_space<vmem>>
      %dma_start3A_119 = arith.constant 0 : i32
      %dma_start3A_120 = tpu.memref_slice %arg5[%dma_start3A_114, %dma_start3A_115, %dma_start3A_119] : memref<2x16x128xi32, #tpu.memory_space<vmem>> -> memref<1x1x128xi32, #tpu.memory_space<vmem>>
      %dma_start3A_121 = tpu.memref_squeeze %dma_start3A_120 : memref<1x1x128xi32, #tpu.memory_space<vmem>> -> memref<128xi32, #tpu.memory_space<vmem>>
      %dma_start3A_122 = arith.constant 0 : i32
      %dma_start3A_123 = tpu.memref_slice %arg8[%dma_start3A_122] : memref<100352xf32, #tpu.memory_space<vmem_shared>> -> memref<100352xf32, #tpu.memory_space<vmem_shared>>
      tpu.enqueue_indirect_dma source(%dma_start3A_118 : memref<128xf32, #tpu.memory_space<vmem>>) target(%dma_start3A_123 : memref<100352xf32, #tpu.memory_space<vmem_shared>>) offsets(%dma_start3A_121 : memref<128xi32, #tpu.memory_space<vmem>>) semaphore(%arg10 : memref<!tpu.dma_semaphore, #tpu.memory_space<semaphore_mem>>) {add = true}
      %dma_start3A_124 = arith.constant 0 : i32
      %dma_start3A_125 = arith.constant 6 : i32
      %dma_start3A_126 = arith.constant 0 : i32
      %dma_start3A_127 = arith.constant 6 : i32
      %dma_start3A_128 = arith.constant 0 : i32
      %dma_start3A_129 = tpu.memref_slice %arg6[%dma_start3A_124, %dma_start3A_125, %dma_start3A_128] : memref<2x16x128xf32, #tpu.memory_space<vmem>> -> memref<1x1x128xf32, #tpu.memory_space<vmem>>
      %dma_start3A_130 = tpu.memref_squeeze %dma_start3A_129 : memref<1x1x128xf32, #tpu.memory_space<vmem>> -> memref<128xf32, #tpu.memory_space<vmem>>
      %dma_start3A_131 = arith.constant 0 : i32
      %dma_start3A_132 = tpu.memref_slice %arg5[%dma_start3A_126, %dma_start3A_127, %dma_start3A_131] : memref<2x16x128xi32, #tpu.memory_space<vmem>> -> memref<1x1x128xi32, #tpu.memory_space<vmem>>
      %dma_start3A_133 = tpu.memref_squeeze %dma_start3A_132 : memref<1x1x128xi32, #tpu.memory_space<vmem>> -> memref<128xi32, #tpu.memory_space<vmem>>
      %dma_start3A_134 = arith.constant 0 : i32
      %dma_start3A_135 = tpu.memref_slice %arg8[%dma_start3A_134] : memref<100352xf32, #tpu.memory_space<vmem_shared>> -> memref<100352xf32, #tpu.memory_space<vmem_shared>>
      tpu.enqueue_indirect_dma source(%dma_start3A_130 : memref<128xf32, #tpu.memory_space<vmem>>) target(%dma_start3A_135 : memref<100352xf32, #tpu.memory_space<vmem_shared>>) offsets(%dma_start3A_133 : memref<128xi32, #tpu.memory_space<vmem>>) semaphore(%arg10 : memref<!tpu.dma_semaphore, #tpu.memory_space<semaphore_mem>>) {add = true}
      %dma_wait3A = arith.constant 0 : i32
      %dma_wait3A_136 = arith.constant 0 : i32
      %dma_wait3A_137 = arith.constant 0 : i32
      %dma_wait3A_138 = arith.constant 0 : i32
      %dma_wait3A_139 = arith.constant 0 : i32
      %dma_wait3A_140 = tpu.memref_slice %arg6[%dma_wait3A, %dma_wait3A_136, %dma_wait3A_139] : memref<2x16x128xf32, #tpu.memory_space<vmem>> -> memref<1x1x128xf32, #tpu.memory_space<vmem>>
      %dma_wait3A_141 = tpu.memref_squeeze %dma_wait3A_140 : memref<1x1x128xf32, #tpu.memory_space<vmem>> -> memref<128xf32, #tpu.memory_space<vmem>>
      %dma_wait3A_142 = arith.constant 0 : i32
      %dma_wait3A_143 = tpu.memref_slice %arg5[%dma_wait3A_137, %dma_wait3A_138, %dma_wait3A_142] : memref<2x16x128xi32, #tpu.memory_space<vmem>> -> memref<1x1x128xi32, #tpu.memory_space<vmem>>
      %dma_wait3A_144 = tpu.memref_squeeze %dma_wait3A_143 : memref<1x1x128xi32, #tpu.memory_space<vmem>> -> memref<128xi32, #tpu.memory_space<vmem>>
      %dma_wait3A_145 = arith.constant 0 : i32
      %dma_wait3A_146 = tpu.memref_slice %arg8[%dma_wait3A_145] : memref<100352xf32, #tpu.memory_space<vmem_shared>> -> memref<100352xf32, #tpu.memory_space<vmem_shared>>
      tpu.wait_indirect_dma semaphore(%arg10 : memref<!tpu.dma_semaphore, #tpu.memory_space<semaphore_mem>>) src(%dma_wait3A_141 : memref<128xf32, #tpu.memory_space<vmem>>) dst(%dma_wait3A_146 : memref<100352xf32, #tpu.memory_space<vmem_shared>>)
      %dma_wait3A_147 = arith.constant 0 : i32
      %dma_wait3A_148 = arith.constant 1 : i32
      %dma_wait3A_149 = arith.constant 0 : i32
      %dma_wait3A_150 = arith.constant 1 : i32
      %dma_wait3A_151 = arith.constant 0 : i32
      %dma_wait3A_152 = tpu.memref_slice %arg6[%dma_wait3A_147, %dma_wait3A_148, %dma_wait3A_151] : memref<2x16x128xf32, #tpu.memory_space<vmem>> -> memref<1x1x128xf32, #tpu.memory_space<vmem>>
      %dma_wait3A_153 = tpu.memref_squeeze %dma_wait3A_152 : memref<1x1x128xf32, #tpu.memory_space<vmem>> -> memref<128xf32, #tpu.memory_space<vmem>>
      %dma_wait3A_154 = arith.constant 0 : i32
      %dma_wait3A_155 = tpu.memref_slice %arg5[%dma_wait3A_149, %dma_wait3A_150, %dma_wait3A_154] : memref<2x16x128xi32, #tpu.memory_space<vmem>> -> memref<1x1x128xi32, #tpu.memory_space<vmem>>
      %dma_wait3A_156 = tpu.memref_squeeze %dma_wait3A_155 : memref<1x1x128xi32, #tpu.memory_space<vmem>> -> memref<128xi32, #tpu.memory_space<vmem>>
      %dma_wait3A_157 = arith.constant 0 : i32
      %dma_wait3A_158 = tpu.memref_slice %arg8[%dma_wait3A_157] : memref<100352xf32, #tpu.memory_space<vmem_shared>> -> memref<100352xf32, #tpu.memory_space<vmem_shared>>
      tpu.wait_indirect_dma semaphore(%arg10 : memref<!tpu.dma_semaphore, #tpu.memory_space<semaphore_mem>>) src(%dma_wait3A_153 : memref<128xf32, #tpu.memory_space<vmem>>) dst(%dma_wait3A_158 : memref<100352xf32, #tpu.memory_space<vmem_shared>>)
      %dma_wait3A_159 = arith.constant 0 : i32
      %dma_wait3A_160 = arith.constant 2 : i32
      %dma_wait3A_161 = arith.constant 0 : i32
      %dma_wait3A_162 = arith.constant 2 : i32
      %dma_wait3A_163 = arith.constant 0 : i32
      %dma_wait3A_164 = tpu.memref_slice %arg6[%dma_wait3A_159, %dma_wait3A_160, %dma_wait3A_163] : memref<2x16x128xf32, #tpu.memory_space<vmem>> -> memref<1x1x128xf32, #tpu.memory_space<vmem>>
      %dma_wait3A_165 = tpu.memref_squeeze %dma_wait3A_164 : memref<1x1x128xf32, #tpu.memory_space<vmem>> -> memref<128xf32, #tpu.memory_space<vmem>>
      %dma_wait3A_166 = arith.constant 0 : i32
      %dma_wait3A_167 = tpu.memref_slice %arg5[%dma_wait3A_161, %dma_wait3A_162, %dma_wait3A_166] : memref<2x16x128xi32, #tpu.memory_space<vmem>> -> memref<1x1x128xi32, #tpu.memory_space<vmem>>
      %dma_wait3A_168 = tpu.memref_squeeze %dma_wait3A_167 : memref<1x1x128xi32, #tpu.memory_space<vmem>> -> memref<128xi32, #tpu.memory_space<vmem>>
      %dma_wait3A_169 = arith.constant 0 : i32
      %dma_wait3A_170 = tpu.memref_slice %arg8[%dma_wait3A_169] : memref<100352xf32, #tpu.memory_space<vmem_shared>> -> memref<100352xf32, #tpu.memory_space<vmem_shared>>
      tpu.wait_indirect_dma semaphore(%arg10 : memref<!tpu.dma_semaphore, #tpu.memory_space<semaphore_mem>>) src(%dma_wait3A_165 : memref<128xf32, #tpu.memory_space<vmem>>) dst(%dma_wait3A_170 : memref<100352xf32, #tpu.memory_space<vmem_shared>>)
      %dma_wait3A_171 = arith.constant 0 : i32
      %dma_wait3A_172 = arith.constant 3 : i32
      %dma_wait3A_173 = arith.constant 0 : i32
      %dma_wait3A_174 = arith.constant 3 : i32
      %dma_wait3A_175 = arith.constant 0 : i32
      %dma_wait3A_176 = tpu.memref_slice %arg6[%dma_wait3A_171, %dma_wait3A_172, %dma_wait3A_175] : memref<2x16x128xf32, #tpu.memory_space<vmem>> -> memref<1x1x128xf32, #tpu.memory_space<vmem>>
      %dma_wait3A_177 = tpu.memref_squeeze %dma_wait3A_176 : memref<1x1x128xf32, #tpu.memory_space<vmem>> -> memref<128xf32, #tpu.memory_space<vmem>>
      %dma_wait3A_178 = arith.constant 0 : i32
      %dma_wait3A_179 = tpu.memref_slice %arg5[%dma_wait3A_173, %dma_wait3A_174, %dma_wait3A_178] : memref<2x16x128xi32, #tpu.memory_space<vmem>> -> memref<1x1x128xi32, #tpu.memory_space<vmem>>
      %dma_wait3A_180 = tpu.memref_squeeze %dma_wait3A_179 : memref<1x1x128xi32, #tpu.memory_space<vmem>> -> memref<128xi32, #tpu.memory_space<vmem>>
      %dma_wait3A_181 = arith.constant 0 : i32
      %dma_wait3A_182 = tpu.memref_slice %arg8[%dma_wait3A_181] : memref<100352xf32, #tpu.memory_space<vmem_shared>> -> memref<100352xf32, #tpu.memory_space<vmem_shared>>
      tpu.wait_indirect_dma semaphore(%arg10 : memref<!tpu.dma_semaphore, #tpu.memory_space<semaphore_mem>>) src(%dma_wait3A_177 : memref<128xf32, #tpu.memory_space<vmem>>) dst(%dma_wait3A_182 : memref<100352xf32, #tpu.memory_space<vmem_shared>>)
      %dma_wait3A_183 = arith.constant 0 : i32
      %dma_wait3A_184 = arith.constant 4 : i32
      %dma_wait3A_185 = arith.constant 0 : i32
      %dma_wait3A_186 = arith.constant 4 : i32
      %dma_wait3A_187 = arith.constant 0 : i32
      %dma_wait3A_188 = tpu.memref_slice %arg6[%dma_wait3A_183, %dma_wait3A_184, %dma_wait3A_187] : memref<2x16x128xf32, #tpu.memory_space<vmem>> -> memref<1x1x128xf32, #tpu.memory_space<vmem>>
      %dma_wait3A_189 = tpu.memref_squeeze %dma_wait3A_188 : memref<1x1x128xf32, #tpu.memory_space<vmem>> -> memref<128xf32, #tpu.memory_space<vmem>>
      %dma_wait3A_190 = arith.constant 0 : i32
      %dma_wait3A_191 = tpu.memref_slice %arg5[%dma_wait3A_185, %dma_wait3A_186, %dma_wait3A_190] : memref<2x16x128xi32, #tpu.memory_space<vmem>> -> memref<1x1x128xi32, #tpu.memory_space<vmem>>
      %dma_wait3A_192 = tpu.memref_squeeze %dma_wait3A_191 : memref<1x1x128xi32, #tpu.memory_space<vmem>> -> memref<128xi32, #tpu.memory_space<vmem>>
      %dma_wait3A_193 = arith.constant 0 : i32
      %dma_wait3A_194 = tpu.memref_slice %arg8[%dma_wait3A_193] : memref<100352xf32, #tpu.memory_space<vmem_shared>> -> memref<100352xf32, #tpu.memory_space<vmem_shared>>
      tpu.wait_indirect_dma semaphore(%arg10 : memref<!tpu.dma_semaphore, #tpu.memory_space<semaphore_mem>>) src(%dma_wait3A_189 : memref<128xf32, #tpu.memory_space<vmem>>) dst(%dma_wait3A_194 : memref<100352xf32, #tpu.memory_space<vmem_shared>>)
      %dma_wait3A_195 = arith.constant 0 : i32
      %dma_wait3A_196 = arith.constant 5 : i32
      %dma_wait3A_197 = arith.constant 0 : i32
      %dma_wait3A_198 = arith.constant 5 : i32
      %dma_wait3A_199 = arith.constant 0 : i32
      %dma_wait3A_200 = tpu.memref_slice %arg6[%dma_wait3A_195, %dma_wait3A_196, %dma_wait3A_199] : memref<2x16x128xf32, #tpu.memory_space<vmem>> -> memref<1x1x128xf32, #tpu.memory_space<vmem>>
      %dma_wait3A_201 = tpu.memref_squeeze %dma_wait3A_200 : memref<1x1x128xf32, #tpu.memory_space<vmem>> -> memref<128xf32, #tpu.memory_space<vmem>>
      %dma_wait3A_202 = arith.constant 0 : i32
      %dma_wait3A_203 = tpu.memref_slice %arg5[%dma_wait3A_197, %dma_wait3A_198, %dma_wait3A_202] : memref<2x16x128xi32, #tpu.memory_space<vmem>> -> memref<1x1x128xi32, #tpu.memory_space<vmem>>
      %dma_wait3A_204 = tpu.memref_squeeze %dma_wait3A_203 : memref<1x1x128xi32, #tpu.memory_space<vmem>> -> memref<128xi32, #tpu.memory_space<vmem>>
      %dma_wait3A_205 = arith.constant 0 : i32
      %dma_wait3A_206 = tpu.memref_slice %arg8[%dma_wait3A_205] : memref<100352xf32, #tpu.memory_space<vmem_shared>> -> memref<100352xf32, #tpu.memory_space<vmem_shared>>
      tpu.wait_indirect_dma semaphore(%arg10 : memref<!tpu.dma_semaphore, #tpu.memory_space<semaphore_mem>>) src(%dma_wait3A_201 : memref<128xf32, #tpu.memory_space<vmem>>) dst(%dma_wait3A_206 : memref<100352xf32, #tpu.memory_space<vmem_shared>>)
      %dma_wait3A_207 = arith.constant 0 : i32
      %dma_wait3A_208 = arith.constant 6 : i32
      %dma_wait3A_209 = arith.constant 0 : i32
      %dma_wait3A_210 = arith.constant 6 : i32
      %dma_wait3A_211 = arith.constant 0 : i32
      %dma_wait3A_212 = tpu.memref_slice %arg6[%dma_wait3A_207, %dma_wait3A_208, %dma_wait3A_211] : memref<2x16x128xf32, #tpu.memory_space<vmem>> -> memref<1x1x128xf32, #tpu.memory_space<vmem>>
      %dma_wait3A_213 = tpu.memref_squeeze %dma_wait3A_212 : memref<1x1x128xf32, #tpu.memory_space<vmem>> -> memref<128xf32, #tpu.memory_space<vmem>>
      %dma_wait3A_214 = arith.constant 0 : i32
      %dma_wait3A_215 = tpu.memref_slice %arg5[%dma_wait3A_209, %dma_wait3A_210, %dma_wait3A_214] : memref<2x16x128xi32, #tpu.memory_space<vmem>> -> memref<1x1x128xi32, #tpu.memory_space<vmem>>
      %dma_wait3A_216 = tpu.memref_squeeze %dma_wait3A_215 : memref<1x1x128xi32, #tpu.memory_space<vmem>> -> memref<128xi32, #tpu.memory_space<vmem>>
      %dma_wait3A_217 = arith.constant 0 : i32
      %dma_wait3A_218 = tpu.memref_slice %arg8[%dma_wait3A_217] : memref<100352xf32, #tpu.memory_space<vmem_shared>> -> memref<100352xf32, #tpu.memory_space<vmem_shared>>
      tpu.wait_indirect_dma semaphore(%arg10 : memref<!tpu.dma_semaphore, #tpu.memory_space<semaphore_mem>>) src(%dma_wait3A_213 : memref<128xf32, #tpu.memory_space<vmem>>) dst(%dma_wait3A_218 : memref<100352xf32, #tpu.memory_space<vmem_shared>>)
    } else {
    }
    %ge3A = arith.constant 20 : i32
    %ge3A_46 = arith.cmpi sge, %add3A, %ge3A : i32
    %convert_element_type3A_47 = arith.extui %ge3A_46 : i1 to i32
    %cond3A_48 = arith.constant 0 : i32
    %cond3A_49 = arith.cmpi ne, %convert_element_type3A_47, %cond3A_48 : i32
    scf.if %cond3A_49 {
      %run_scoped3A = arith.constant 0 : i32
      "tpu.region"() ({
        %run_scoped3A_195 = tpu.sem_alloc : memref<!tpu.dma_semaphore, #tpu.memory_space<semaphore_mem>>
        %dma_start3A_196 = arith.constant 0 : i32
        %dma_start3A_197 = arith.constant 0 : i32
        %dma_start3A_198 = tpu.memref_slice %arg5[%run_scoped3A, %dma_start3A_196, %dma_start3A_197] : memref<2x16x128xi32, #tpu.memory_space<vmem>> -> memref<1x6x128xi32, #tpu.memory_space<vmem>>
        %dma_start3A_199 = tpu.memref_squeeze %dma_start3A_198 : memref<1x6x128xi32, #tpu.memory_space<vmem>> -> memref<6x128xi32, #tpu.memory_space<vmem>>
        %dma_start3A_200 = arith.constant 0 : i32
        %dma_start3A_201 = tpu.memref_slice %arg3[%add3A_43, %dma_start3A_200] : memref<12500x128xi32, #tpu.memory_space<hbm>> -> memref<6x128xi32, #tpu.memory_space<hbm>>
        %dma_start3A_202 = arith.constant 0 : i32
        %dma_start3A_203 = arith.constant 0 : i32
        %dma_start3A_204 = tpu.memref_slice %arg5[%run_scoped3A, %dma_start3A_202, %dma_start3A_203] : memref<2x16x128xi32, #tpu.memory_space<vmem>> -> memref<1x6x128xi32, #tpu.memory_space<vmem>>
        %dma_start3A_205 = tpu.memref_squeeze %dma_start3A_204 : memref<1x6x128xi32, #tpu.memory_space<vmem>> -> memref<6x128xi32, #tpu.memory_space<vmem>>
        %dma_start3A_206 = arith.constant 0 : i32
        %dma_start3A_207 = tpu.memref_slice %arg3[%add3A_43, %dma_start3A_206] : memref<12500x128xi32, #tpu.memory_space<hbm>> -> memref<6x128xi32, #tpu.memory_space<hbm>>
        tpu.enqueue_dma source(%dma_start3A_207 : memref<6x128xi32, #tpu.memory_space<hbm>>) target(%dma_start3A_205 : memref<6x128xi32, #tpu.memory_space<vmem>>) target_semaphore(%run_scoped3A_195 : memref<!tpu.dma_semaphore, #tpu.memory_space<semaphore_mem>>)
        %dma_wait3A_208 = arith.constant 0 : i32
        %dma_wait3A_209 = arith.constant 0 : i32
        %dma_wait3A_210 = tpu.memref_slice %arg5[%run_scoped3A, %dma_wait3A_208, %dma_wait3A_209] : memref<2x16x128xi32, #tpu.memory_space<vmem>> -> memref<1x6x128xi32, #tpu.memory_space<vmem>>
        %dma_wait3A_211 = tpu.memref_squeeze %dma_wait3A_210 : memref<1x6x128xi32, #tpu.memory_space<vmem>> -> memref<6x128xi32, #tpu.memory_space<vmem>>
        %dma_wait3A_212 = arith.constant 0 : i32
        %dma_wait3A_213 = tpu.memref_slice %arg3[%add3A_43, %dma_wait3A_212] : memref<12500x128xi32, #tpu.memory_space<hbm>> -> memref<6x128xi32, #tpu.memory_space<hbm>>
        %dma_wait3A_214 = arith.constant 0 : i32
        %dma_wait3A_215 = arith.constant 0 : i32
        %dma_wait3A_216 = tpu.memref_slice %arg5[%run_scoped3A, %dma_wait3A_214, %dma_wait3A_215] : memref<2x16x128xi32, #tpu.memory_space<vmem>> -> memref<1x6x128xi32, #tpu.memory_space<vmem>>
        %dma_wait3A_217 = tpu.memref_squeeze %dma_wait3A_216 : memref<1x6x128xi32, #tpu.memory_space<vmem>> -> memref<6x128xi32, #tpu.memory_space<vmem>>
        %dma_wait3A_218 = arith.constant 0 : i32
        %dma_wait3A_219 = tpu.memref_slice %arg3[%add3A_43, %dma_wait3A_218] : memref<12500x128xi32, #tpu.memory_space<hbm>> -> memref<6x128xi32, #tpu.memory_space<hbm>>
        tpu.wait_dma2 semaphore(%run_scoped3A_195 : memref<!tpu.dma_semaphore, #tpu.memory_space<semaphore_mem>>) src(%dma_wait3A_219 : memref<6x128xi32, #tpu.memory_space<hbm>>) dst(%dma_wait3A_217 : memref<6x128xi32, #tpu.memory_space<vmem>>)
        tpu.yield
      }) : () -> ()
      %run_scoped3A_51 = arith.constant 0 : i32
      "tpu.region"() ({
        %run_scoped3A_195 = tpu.sem_alloc : memref<!tpu.dma_semaphore, #tpu.memory_space<semaphore_mem>>
        %dma_start3A_196 = arith.constant 0 : i32
        %dma_start3A_197 = arith.constant 0 : i32
        %dma_start3A_198 = tpu.memref_slice %arg6[%run_scoped3A_51, %dma_start3A_196, %dma_start3A_197] : memref<2x16x128xf32, #tpu.memory_space<vmem>> -> memref<1x6x128xf32, #tpu.memory_space<vmem>>
        %dma_start3A_199 = tpu.memref_squeeze %dma_start3A_198 : memref<1x6x128xf32, #tpu.memory_space<vmem>> -> memref<6x128xf32, #tpu.memory_space<vmem>>
        %dma_start3A_200 = arith.constant 0 : i32
        %dma_start3A_201 = tpu.memref_slice %arg2[%add3A_43, %dma_start3A_200] : memref<12500x128xf32, #tpu.memory_space<hbm>> -> memref<6x128xf32, #tpu.memory_space<hbm>>
        %dma_start3A_202 = arith.constant 0 : i32
        %dma_start3A_203 = arith.constant 0 : i32
        %dma_start3A_204 = tpu.memref_slice %arg6[%run_scoped3A_51, %dma_start3A_202, %dma_start3A_203] : memref<2x16x128xf32, #tpu.memory_space<vmem>> -> memref<1x6x128xf32, #tpu.memory_space<vmem>>
        %dma_start3A_205 = tpu.memref_squeeze %dma_start3A_204 : memref<1x6x128xf32, #tpu.memory_space<vmem>> -> memref<6x128xf32, #tpu.memory_space<vmem>>
        %dma_start3A_206 = arith.constant 0 : i32
        %dma_start3A_207 = tpu.memref_slice %arg2[%add3A_43, %dma_start3A_206] : memref<12500x128xf32, #tpu.memory_space<hbm>> -> memref<6x128xf32, #tpu.memory_space<hbm>>
        tpu.enqueue_dma source(%dma_start3A_207 : memref<6x128xf32, #tpu.memory_space<hbm>>) target(%dma_start3A_205 : memref<6x128xf32, #tpu.memory_space<vmem>>) target_semaphore(%run_scoped3A_195 : memref<!tpu.dma_semaphore, #tpu.memory_space<semaphore_mem>>)
        %dma_wait3A_208 = arith.constant 0 : i32
        %dma_wait3A_209 = arith.constant 0 : i32
        %dma_wait3A_210 = tpu.memref_slice %arg6[%run_scoped3A_51, %dma_wait3A_208, %dma_wait3A_209] : memref<2x16x128xf32, #tpu.memory_space<vmem>> -> memref<1x6x128xf32, #tpu.memory_space<vmem>>
        %dma_wait3A_211 = tpu.memref_squeeze %dma_wait3A_210 : memref<1x6x128xf32, #tpu.memory_space<vmem>> -> memref<6x128xf32, #tpu.memory_space<vmem>>
        %dma_wait3A_212 = arith.constant 0 : i32
        %dma_wait3A_213 = tpu.memref_slice %arg2[%add3A_43, %dma_wait3A_212] : memref<12500x128xf32, #tpu.memory_space<hbm>> -> memref<6x128xf32, #tpu.memory_space<hbm>>
        %dma_wait3A_214 = arith.constant 0 : i32
        %dma_wait3A_215 = arith.constant 0 : i32
        %dma_wait3A_216 = tpu.memref_slice %arg6[%run_scoped3A_51, %dma_wait3A_214, %dma_wait3A_215] : memref<2x16x128xf32, #tpu.memory_space<vmem>> -> memref<1x6x128xf32, #tpu.memory_space<vmem>>
        %dma_wait3A_217 = tpu.memref_squeeze %dma_wait3A_216 : memref<1x6x128xf32, #tpu.memory_space<vmem>> -> memref<6x128xf32, #tpu.memory_space<vmem>>
        %dma_wait3A_218 = arith.constant 0 : i32
        %dma_wait3A_219 = tpu.memref_slice %arg2[%add3A_43, %dma_wait3A_218] : memref<12500x128xf32, #tpu.memory_space<hbm>> -> memref<6x128xf32, #tpu.memory_space<hbm>>
        tpu.wait_dma2 semaphore(%run_scoped3A_195 : memref<!tpu.dma_semaphore, #tpu.memory_space<semaphore_mem>>) src(%dma_wait3A_219 : memref<6x128xf32, #tpu.memory_space<hbm>>) dst(%dma_wait3A_217 : memref<6x128xf32, #tpu.memory_space<vmem>>)
        tpu.yield
      }) : () -> ()
      %dma_start3A_52 = arith.constant 0 : i32
      %dma_start3A_53 = arith.constant 0 : i32
      %dma_start3A_54 = arith.constant 0 : i32
      %dma_start3A_55 = arith.constant 0 : i32
      %dma_start3A_56 = arith.constant 0 : i32
      %dma_start3A_57 = tpu.memref_slice %arg6[%dma_start3A_52, %dma_start3A_53, %dma_start3A_56] : memref<2x16x128xf32, #tpu.memory_space<vmem>> -> memref<1x1x128xf32, #tpu.memory_space<vmem>>
      %dma_start3A_58 = tpu.memref_squeeze %dma_start3A_57 : memref<1x1x128xf32, #tpu.memory_space<vmem>> -> memref<128xf32, #tpu.memory_space<vmem>>
      %dma_start3A_59 = arith.constant 0 : i32
      %dma_start3A_60 = tpu.memref_slice %arg5[%dma_start3A_54, %dma_start3A_55, %dma_start3A_59] : memref<2x16x128xi32, #tpu.memory_space<vmem>> -> memref<1x1x128xi32, #tpu.memory_space<vmem>>
      %dma_start3A_61 = tpu.memref_squeeze %dma_start3A_60 : memref<1x1x128xi32, #tpu.memory_space<vmem>> -> memref<128xi32, #tpu.memory_space<vmem>>
      %dma_start3A_62 = arith.constant 0 : i32
      %dma_start3A_63 = tpu.memref_slice %arg8[%dma_start3A_62] : memref<100352xf32, #tpu.memory_space<vmem_shared>> -> memref<100352xf32, #tpu.memory_space<vmem_shared>>
      tpu.enqueue_indirect_dma source(%dma_start3A_58 : memref<128xf32, #tpu.memory_space<vmem>>) target(%dma_start3A_63 : memref<100352xf32, #tpu.memory_space<vmem_shared>>) offsets(%dma_start3A_61 : memref<128xi32, #tpu.memory_space<vmem>>) semaphore(%arg10 : memref<!tpu.dma_semaphore, #tpu.memory_space<semaphore_mem>>) {add = true}
      %dma_start3A_64 = arith.constant 0 : i32
      %dma_start3A_65 = arith.constant 1 : i32
      %dma_start3A_66 = arith.constant 0 : i32
      %dma_start3A_67 = arith.constant 1 : i32
      %dma_start3A_68 = arith.constant 0 : i32
      %dma_start3A_69 = tpu.memref_slice %arg6[%dma_start3A_64, %dma_start3A_65, %dma_start3A_68] : memref<2x16x128xf32, #tpu.memory_space<vmem>> -> memref<1x1x128xf32, #tpu.memory_space<vmem>>
      %dma_start3A_70 = tpu.memref_squeeze %dma_start3A_69 : memref<1x1x128xf32, #tpu.memory_space<vmem>> -> memref<128xf32, #tpu.memory_space<vmem>>
      %dma_start3A_71 = arith.constant 0 : i32
      %dma_start3A_72 = tpu.memref_slice %arg5[%dma_start3A_66, %dma_start3A_67, %dma_start3A_71] : memref<2x16x128xi32, #tpu.memory_space<vmem>> -> memref<1x1x128xi32, #tpu.memory_space<vmem>>
      %dma_start3A_73 = tpu.memref_squeeze %dma_start3A_72 : memref<1x1x128xi32, #tpu.memory_space<vmem>> -> memref<128xi32, #tpu.memory_space<vmem>>
      %dma_start3A_74 = arith.constant 0 : i32
      %dma_start3A_75 = tpu.memref_slice %arg8[%dma_start3A_74] : memref<100352xf32, #tpu.memory_space<vmem_shared>> -> memref<100352xf32, #tpu.memory_space<vmem_shared>>
      tpu.enqueue_indirect_dma source(%dma_start3A_70 : memref<128xf32, #tpu.memory_space<vmem>>) target(%dma_start3A_75 : memref<100352xf32, #tpu.memory_space<vmem_shared>>) offsets(%dma_start3A_73 : memref<128xi32, #tpu.memory_space<vmem>>) semaphore(%arg10 : memref<!tpu.dma_semaphore, #tpu.memory_space<semaphore_mem>>) {add = true}
      %dma_start3A_76 = arith.constant 0 : i32
      %dma_start3A_77 = arith.constant 2 : i32
      %dma_start3A_78 = arith.constant 0 : i32
      %dma_start3A_79 = arith.constant 2 : i32
      %dma_start3A_80 = arith.constant 0 : i32
      %dma_start3A_81 = tpu.memref_slice %arg6[%dma_start3A_76, %dma_start3A_77, %dma_start3A_80] : memref<2x16x128xf32, #tpu.memory_space<vmem>> -> memref<1x1x128xf32, #tpu.memory_space<vmem>>
      %dma_start3A_82 = tpu.memref_squeeze %dma_start3A_81 : memref<1x1x128xf32, #tpu.memory_space<vmem>> -> memref<128xf32, #tpu.memory_space<vmem>>
      %dma_start3A_83 = arith.constant 0 : i32
      %dma_start3A_84 = tpu.memref_slice %arg5[%dma_start3A_78, %dma_start3A_79, %dma_start3A_83] : memref<2x16x128xi32, #tpu.memory_space<vmem>> -> memref<1x1x128xi32, #tpu.memory_space<vmem>>
      %dma_start3A_85 = tpu.memref_squeeze %dma_start3A_84 : memref<1x1x128xi32, #tpu.memory_space<vmem>> -> memref<128xi32, #tpu.memory_space<vmem>>
      %dma_start3A_86 = arith.constant 0 : i32
      %dma_start3A_87 = tpu.memref_slice %arg8[%dma_start3A_86] : memref<100352xf32, #tpu.memory_space<vmem_shared>> -> memref<100352xf32, #tpu.memory_space<vmem_shared>>
      tpu.enqueue_indirect_dma source(%dma_start3A_82 : memref<128xf32, #tpu.memory_space<vmem>>) target(%dma_start3A_87 : memref<100352xf32, #tpu.memory_space<vmem_shared>>) offsets(%dma_start3A_85 : memref<128xi32, #tpu.memory_space<vmem>>) semaphore(%arg10 : memref<!tpu.dma_semaphore, #tpu.memory_space<semaphore_mem>>) {add = true}
      %dma_start3A_88 = arith.constant 0 : i32
      %dma_start3A_89 = arith.constant 3 : i32
      %dma_start3A_90 = arith.constant 0 : i32
      %dma_start3A_91 = arith.constant 3 : i32
      %dma_start3A_92 = arith.constant 0 : i32
      %dma_start3A_93 = tpu.memref_slice %arg6[%dma_start3A_88, %dma_start3A_89, %dma_start3A_92] : memref<2x16x128xf32, #tpu.memory_space<vmem>> -> memref<1x1x128xf32, #tpu.memory_space<vmem>>
      %dma_start3A_94 = tpu.memref_squeeze %dma_start3A_93 : memref<1x1x128xf32, #tpu.memory_space<vmem>> -> memref<128xf32, #tpu.memory_space<vmem>>
      %dma_start3A_95 = arith.constant 0 : i32
      %dma_start3A_96 = tpu.memref_slice %arg5[%dma_start3A_90, %dma_start3A_91, %dma_start3A_95] : memref<2x16x128xi32, #tpu.memory_space<vmem>> -> memref<1x1x128xi32, #tpu.memory_space<vmem>>
      %dma_start3A_97 = tpu.memref_squeeze %dma_start3A_96 : memref<1x1x128xi32, #tpu.memory_space<vmem>> -> memref<128xi32, #tpu.memory_space<vmem>>
      %dma_start3A_98 = arith.constant 0 : i32
      %dma_start3A_99 = tpu.memref_slice %arg8[%dma_start3A_98] : memref<100352xf32, #tpu.memory_space<vmem_shared>> -> memref<100352xf32, #tpu.memory_space<vmem_shared>>
      tpu.enqueue_indirect_dma source(%dma_start3A_94 : memref<128xf32, #tpu.memory_space<vmem>>) target(%dma_start3A_99 : memref<100352xf32, #tpu.memory_space<vmem_shared>>) offsets(%dma_start3A_97 : memref<128xi32, #tpu.memory_space<vmem>>) semaphore(%arg10 : memref<!tpu.dma_semaphore, #tpu.memory_space<semaphore_mem>>) {add = true}
      %dma_start3A_100 = arith.constant 0 : i32
      %dma_start3A_101 = arith.constant 4 : i32
      %dma_start3A_102 = arith.constant 0 : i32
      %dma_start3A_103 = arith.constant 4 : i32
      %dma_start3A_104 = arith.constant 0 : i32
      %dma_start3A_105 = tpu.memref_slice %arg6[%dma_start3A_100, %dma_start3A_101, %dma_start3A_104] : memref<2x16x128xf32, #tpu.memory_space<vmem>> -> memref<1x1x128xf32, #tpu.memory_space<vmem>>
      %dma_start3A_106 = tpu.memref_squeeze %dma_start3A_105 : memref<1x1x128xf32, #tpu.memory_space<vmem>> -> memref<128xf32, #tpu.memory_space<vmem>>
      %dma_start3A_107 = arith.constant 0 : i32
      %dma_start3A_108 = tpu.memref_slice %arg5[%dma_start3A_102, %dma_start3A_103, %dma_start3A_107] : memref<2x16x128xi32, #tpu.memory_space<vmem>> -> memref<1x1x128xi32, #tpu.memory_space<vmem>>
      %dma_start3A_109 = tpu.memref_squeeze %dma_start3A_108 : memref<1x1x128xi32, #tpu.memory_space<vmem>> -> memref<128xi32, #tpu.memory_space<vmem>>
      %dma_start3A_110 = arith.constant 0 : i32
      %dma_start3A_111 = tpu.memref_slice %arg8[%dma_start3A_110] : memref<100352xf32, #tpu.memory_space<vmem_shared>> -> memref<100352xf32, #tpu.memory_space<vmem_shared>>
      tpu.enqueue_indirect_dma source(%dma_start3A_106 : memref<128xf32, #tpu.memory_space<vmem>>) target(%dma_start3A_111 : memref<100352xf32, #tpu.memory_space<vmem_shared>>) offsets(%dma_start3A_109 : memref<128xi32, #tpu.memory_space<vmem>>) semaphore(%arg10 : memref<!tpu.dma_semaphore, #tpu.memory_space<semaphore_mem>>) {add = true}
      %dma_start3A_112 = arith.constant 0 : i32
      %dma_start3A_113 = arith.constant 5 : i32
      %dma_start3A_114 = arith.constant 0 : i32
      %dma_start3A_115 = arith.constant 5 : i32
      %dma_start3A_116 = arith.constant 0 : i32
      %dma_start3A_117 = tpu.memref_slice %arg6[%dma_start3A_112, %dma_start3A_113, %dma_start3A_116] : memref<2x16x128xf32, #tpu.memory_space<vmem>> -> memref<1x1x128xf32, #tpu.memory_space<vmem>>
      %dma_start3A_118 = tpu.memref_squeeze %dma_start3A_117 : memref<1x1x128xf32, #tpu.memory_space<vmem>> -> memref<128xf32, #tpu.memory_space<vmem>>
      %dma_start3A_119 = arith.constant 0 : i32
      %dma_start3A_120 = tpu.memref_slice %arg5[%dma_start3A_114, %dma_start3A_115, %dma_start3A_119] : memref<2x16x128xi32, #tpu.memory_space<vmem>> -> memref<1x1x128xi32, #tpu.memory_space<vmem>>
      %dma_start3A_121 = tpu.memref_squeeze %dma_start3A_120 : memref<1x1x128xi32, #tpu.memory_space<vmem>> -> memref<128xi32, #tpu.memory_space<vmem>>
      %dma_start3A_122 = arith.constant 0 : i32
      %dma_start3A_123 = tpu.memref_slice %arg8[%dma_start3A_122] : memref<100352xf32, #tpu.memory_space<vmem_shared>> -> memref<100352xf32, #tpu.memory_space<vmem_shared>>
      tpu.enqueue_indirect_dma source(%dma_start3A_118 : memref<128xf32, #tpu.memory_space<vmem>>) target(%dma_start3A_123 : memref<100352xf32, #tpu.memory_space<vmem_shared>>) offsets(%dma_start3A_121 : memref<128xi32, #tpu.memory_space<vmem>>) semaphore(%arg10 : memref<!tpu.dma_semaphore, #tpu.memory_space<semaphore_mem>>) {add = true}
      %dma_wait3A = arith.constant 0 : i32
      %dma_wait3A_124 = arith.constant 0 : i32
      %dma_wait3A_125 = arith.constant 0 : i32
      %dma_wait3A_126 = arith.constant 0 : i32
      %dma_wait3A_127 = arith.constant 0 : i32
      %dma_wait3A_128 = tpu.memref_slice %arg6[%dma_wait3A, %dma_wait3A_124, %dma_wait3A_127] : memref<2x16x128xf32, #tpu.memory_space<vmem>> -> memref<1x1x128xf32, #tpu.memory_space<vmem>>
      %dma_wait3A_129 = tpu.memref_squeeze %dma_wait3A_128 : memref<1x1x128xf32, #tpu.memory_space<vmem>> -> memref<128xf32, #tpu.memory_space<vmem>>
      %dma_wait3A_130 = arith.constant 0 : i32
      %dma_wait3A_131 = tpu.memref_slice %arg5[%dma_wait3A_125, %dma_wait3A_126, %dma_wait3A_130] : memref<2x16x128xi32, #tpu.memory_space<vmem>> -> memref<1x1x128xi32, #tpu.memory_space<vmem>>
      %dma_wait3A_132 = tpu.memref_squeeze %dma_wait3A_131 : memref<1x1x128xi32, #tpu.memory_space<vmem>> -> memref<128xi32, #tpu.memory_space<vmem>>
      %dma_wait3A_133 = arith.constant 0 : i32
      %dma_wait3A_134 = tpu.memref_slice %arg8[%dma_wait3A_133] : memref<100352xf32, #tpu.memory_space<vmem_shared>> -> memref<100352xf32, #tpu.memory_space<vmem_shared>>
      tpu.wait_indirect_dma semaphore(%arg10 : memref<!tpu.dma_semaphore, #tpu.memory_space<semaphore_mem>>) src(%dma_wait3A_129 : memref<128xf32, #tpu.memory_space<vmem>>) dst(%dma_wait3A_134 : memref<100352xf32, #tpu.memory_space<vmem_shared>>)
      %dma_wait3A_135 = arith.constant 0 : i32
      %dma_wait3A_136 = arith.constant 1 : i32
      %dma_wait3A_137 = arith.constant 0 : i32
      %dma_wait3A_138 = arith.constant 1 : i32
      %dma_wait3A_139 = arith.constant 0 : i32
      %dma_wait3A_140 = tpu.memref_slice %arg6[%dma_wait3A_135, %dma_wait3A_136, %dma_wait3A_139] : memref<2x16x128xf32, #tpu.memory_space<vmem>> -> memref<1x1x128xf32, #tpu.memory_space<vmem>>
      %dma_wait3A_141 = tpu.memref_squeeze %dma_wait3A_140 : memref<1x1x128xf32, #tpu.memory_space<vmem>> -> memref<128xf32, #tpu.memory_space<vmem>>
      %dma_wait3A_142 = arith.constant 0 : i32
      %dma_wait3A_143 = tpu.memref_slice %arg5[%dma_wait3A_137, %dma_wait3A_138, %dma_wait3A_142] : memref<2x16x128xi32, #tpu.memory_space<vmem>> -> memref<1x1x128xi32, #tpu.memory_space<vmem>>
      %dma_wait3A_144 = tpu.memref_squeeze %dma_wait3A_143 : memref<1x1x128xi32, #tpu.memory_space<vmem>> -> memref<128xi32, #tpu.memory_space<vmem>>
      %dma_wait3A_145 = arith.constant 0 : i32
      %dma_wait3A_146 = tpu.memref_slice %arg8[%dma_wait3A_145] : memref<100352xf32, #tpu.memory_space<vmem_shared>> -> memref<100352xf32, #tpu.memory_space<vmem_shared>>
      tpu.wait_indirect_dma semaphore(%arg10 : memref<!tpu.dma_semaphore, #tpu.memory_space<semaphore_mem>>) src(%dma_wait3A_141 : memref<128xf32, #tpu.memory_space<vmem>>) dst(%dma_wait3A_146 : memref<100352xf32, #tpu.memory_space<vmem_shared>>)
      %dma_wait3A_147 = arith.constant 0 : i32
      %dma_wait3A_148 = arith.constant 2 : i32
      %dma_wait3A_149 = arith.constant 0 : i32
      %dma_wait3A_150 = arith.constant 2 : i32
      %dma_wait3A_151 = arith.constant 0 : i32
      %dma_wait3A_152 = tpu.memref_slice %arg6[%dma_wait3A_147, %dma_wait3A_148, %dma_wait3A_151] : memref<2x16x128xf32, #tpu.memory_space<vmem>> -> memref<1x1x128xf32, #tpu.memory_space<vmem>>
      %dma_wait3A_153 = tpu.memref_squeeze %dma_wait3A_152 : memref<1x1x128xf32, #tpu.memory_space<vmem>> -> memref<128xf32, #tpu.memory_space<vmem>>
      %dma_wait3A_154 = arith.constant 0 : i32
      %dma_wait3A_155 = tpu.memref_slice %arg5[%dma_wait3A_149, %dma_wait3A_150, %dma_wait3A_154] : memref<2x16x128xi32, #tpu.memory_space<vmem>> -> memref<1x1x128xi32, #tpu.memory_space<vmem>>
      %dma_wait3A_156 = tpu.memref_squeeze %dma_wait3A_155 : memref<1x1x128xi32, #tpu.memory_space<vmem>> -> memref<128xi32, #tpu.memory_space<vmem>>
      %dma_wait3A_157 = arith.constant 0 : i32
      %dma_wait3A_158 = tpu.memref_slice %arg8[%dma_wait3A_157] : memref<100352xf32, #tpu.memory_space<vmem_shared>> -> memref<100352xf32, #tpu.memory_space<vmem_shared>>
      tpu.wait_indirect_dma semaphore(%arg10 : memref<!tpu.dma_semaphore, #tpu.memory_space<semaphore_mem>>) src(%dma_wait3A_153 : memref<128xf32, #tpu.memory_space<vmem>>) dst(%dma_wait3A_158 : memref<100352xf32, #tpu.memory_space<vmem_shared>>)
      %dma_wait3A_159 = arith.constant 0 : i32
      %dma_wait3A_160 = arith.constant 3 : i32
      %dma_wait3A_161 = arith.constant 0 : i32
      %dma_wait3A_162 = arith.constant 3 : i32
      %dma_wait3A_163 = arith.constant 0 : i32
      %dma_wait3A_164 = tpu.memref_slice %arg6[%dma_wait3A_159, %dma_wait3A_160, %dma_wait3A_163] : memref<2x16x128xf32, #tpu.memory_space<vmem>> -> memref<1x1x128xf32, #tpu.memory_space<vmem>>
      %dma_wait3A_165 = tpu.memref_squeeze %dma_wait3A_164 : memref<1x1x128xf32, #tpu.memory_space<vmem>> -> memref<128xf32, #tpu.memory_space<vmem>>
      %dma_wait3A_166 = arith.constant 0 : i32
      %dma_wait3A_167 = tpu.memref_slice %arg5[%dma_wait3A_161, %dma_wait3A_162, %dma_wait3A_166] : memref<2x16x128xi32, #tpu.memory_space<vmem>> -> memref<1x1x128xi32, #tpu.memory_space<vmem>>
      %dma_wait3A_168 = tpu.memref_squeeze %dma_wait3A_167 : memref<1x1x128xi32, #tpu.memory_space<vmem>> -> memref<128xi32, #tpu.memory_space<vmem>>
      %dma_wait3A_169 = arith.constant 0 : i32
      %dma_wait3A_170 = tpu.memref_slice %arg8[%dma_wait3A_169] : memref<100352xf32, #tpu.memory_space<vmem_shared>> -> memref<100352xf32, #tpu.memory_space<vmem_shared>>
      tpu.wait_indirect_dma semaphore(%arg10 : memref<!tpu.dma_semaphore, #tpu.memory_space<semaphore_mem>>) src(%dma_wait3A_165 : memref<128xf32, #tpu.memory_space<vmem>>) dst(%dma_wait3A_170 : memref<100352xf32, #tpu.memory_space<vmem_shared>>)
      %dma_wait3A_171 = arith.constant 0 : i32
      %dma_wait3A_172 = arith.constant 4 : i32
      %dma_wait3A_173 = arith.constant 0 : i32
      %dma_wait3A_174 = arith.constant 4 : i32
      %dma_wait3A_175 = arith.constant 0 : i32
      %dma_wait3A_176 = tpu.memref_slice %arg6[%dma_wait3A_171, %dma_wait3A_172, %dma_wait3A_175] : memref<2x16x128xf32, #tpu.memory_space<vmem>> -> memref<1x1x128xf32, #tpu.memory_space<vmem>>
      %dma_wait3A_177 = tpu.memref_squeeze %dma_wait3A_176 : memref<1x1x128xf32, #tpu.memory_space<vmem>> -> memref<128xf32, #tpu.memory_space<vmem>>
      %dma_wait3A_178 = arith.constant 0 : i32
      %dma_wait3A_179 = tpu.memref_slice %arg5[%dma_wait3A_173, %dma_wait3A_174, %dma_wait3A_178] : memref<2x16x128xi32, #tpu.memory_space<vmem>> -> memref<1x1x128xi32, #tpu.memory_space<vmem>>
      %dma_wait3A_180 = tpu.memref_squeeze %dma_wait3A_179 : memref<1x1x128xi32, #tpu.memory_space<vmem>> -> memref<128xi32, #tpu.memory_space<vmem>>
      %dma_wait3A_181 = arith.constant 0 : i32
      %dma_wait3A_182 = tpu.memref_slice %arg8[%dma_wait3A_181] : memref<100352xf32, #tpu.memory_space<vmem_shared>> -> memref<100352xf32, #tpu.memory_space<vmem_shared>>
      tpu.wait_indirect_dma semaphore(%arg10 : memref<!tpu.dma_semaphore, #tpu.memory_space<semaphore_mem>>) src(%dma_wait3A_177 : memref<128xf32, #tpu.memory_space<vmem>>) dst(%dma_wait3A_182 : memref<100352xf32, #tpu.memory_space<vmem_shared>>)
      %dma_wait3A_183 = arith.constant 0 : i32
      %dma_wait3A_184 = arith.constant 5 : i32
      %dma_wait3A_185 = arith.constant 0 : i32
      %dma_wait3A_186 = arith.constant 5 : i32
      %dma_wait3A_187 = arith.constant 0 : i32
      %dma_wait3A_188 = tpu.memref_slice %arg6[%dma_wait3A_183, %dma_wait3A_184, %dma_wait3A_187] : memref<2x16x128xf32, #tpu.memory_space<vmem>> -> memref<1x1x128xf32, #tpu.memory_space<vmem>>
      %dma_wait3A_189 = tpu.memref_squeeze %dma_wait3A_188 : memref<1x1x128xf32, #tpu.memory_space<vmem>> -> memref<128xf32, #tpu.memory_space<vmem>>
      %dma_wait3A_190 = arith.constant 0 : i32
      %dma_wait3A_191 = tpu.memref_slice %arg5[%dma_wait3A_185, %dma_wait3A_186, %dma_wait3A_190] : memref<2x16x128xi32, #tpu.memory_space<vmem>> -> memref<1x1x128xi32, #tpu.memory_space<vmem>>
      %dma_wait3A_192 = tpu.memref_squeeze %dma_wait3A_191 : memref<1x1x128xi32, #tpu.memory_space<vmem>> -> memref<128xi32, #tpu.memory_space<vmem>>
      %dma_wait3A_193 = arith.constant 0 : i32
      %dma_wait3A_194 = tpu.memref_slice %arg8[%dma_wait3A_193] : memref<100352xf32, #tpu.memory_space<vmem_shared>> -> memref<100352xf32, #tpu.memory_space<vmem_shared>>
      tpu.wait_indirect_dma semaphore(%arg10 : memref<!tpu.dma_semaphore, #tpu.memory_space<semaphore_mem>>) src(%dma_wait3A_189 : memref<128xf32, #tpu.memory_space<vmem>>) dst(%dma_wait3A_194 : memref<100352xf32, #tpu.memory_space<vmem_shared>>)
    } else {
    }
    %barrier3A_50 = arith.constant 0 : index
    tpu.barrier barrier_id(%barrier3A_50)
    "tpu.region"() ({
      %run_scoped3A = tpu.sem_alloc : memref<!tpu.dma_semaphore, #tpu.memory_space<semaphore_mem>>
      %dma_start3A_51 = tpu.memref_slice %arg4[%arg0, %multiple_of3A] : memref<2x100352xf32, #tpu.memory_space<hbm>> -> memref<1x6272xf32, #tpu.memory_space<hbm>>
      %dma_start3A_52 = tpu.memref_squeeze %dma_start3A_51 : memref<1x6272xf32, #tpu.memory_space<hbm>> -> memref<6272xf32, #tpu.memory_space<hbm>>
      %dma_start3A_53 = tpu.memref_slice %arg8[%multiple_of3A] : memref<100352xf32, #tpu.memory_space<vmem_shared>> -> memref<6272xf32, #tpu.memory_space<vmem_shared>>
      tpu.enqueue_dma source(%dma_start3A_53 : memref<6272xf32, #tpu.memory_space<vmem_shared>>) target(%dma_start3A_52 : memref<6272xf32, #tpu.memory_space<hbm>>) target_semaphore(%run_scoped3A : memref<!tpu.dma_semaphore, #tpu.memory_space<semaphore_mem>>)
      %dma_wait3A = tpu.memref_slice %arg4[%arg0, %multiple_of3A] : memref<2x100352xf32, #tpu.memory_space<hbm>> -> memref<1x6272xf32, #tpu.memory_space<hbm>>
      %dma_wait3A_54 = tpu.memref_squeeze %dma_wait3A : memref<1x6272xf32, #tpu.memory_space<hbm>> -> memref<6272xf32, #tpu.memory_space<hbm>>
      %dma_wait3A_55 = tpu.memref_slice %arg8[%multiple_of3A] : memref<100352xf32, #tpu.memory_space<vmem_shared>> -> memref<6272xf32, #tpu.memory_space<vmem_shared>>
      tpu.wait_dma2 semaphore(%run_scoped3A : memref<!tpu.dma_semaphore, #tpu.memory_space<semaphore_mem>>) src(%dma_wait3A_55 : memref<6272xf32, #tpu.memory_space<vmem_shared>>) dst(%dma_wait3A_54 : memref<6272xf32, #tpu.memory_space<hbm>>)
      tpu.yield
    }) : () -> ()
    return
  }
}

module attributes {stable_mosaic.version = 14 : i64} {
  func.func @body(%arg0: memref<2x784x128xf32, #tpu.memory_space<vmem>>, %arg1: memref<784x128xf32, #tpu.memory_space<vmem>>) attributes {dimension_semantics = [], scalar_prefetch = 0 : i64, scratch_operands = 0 : i64, tpu.core_type = #tpu.core_type<tc>} {
    %get3A = arith.constant 0 : index
    %get3A_0 = arith.constant 0 : index
    %get3A_1 = arith.constant 0 : index
    %get3A_2 = vector.load %arg0[%get3A, %get3A_0, %get3A_1] : memref<2x784x128xf32, #tpu.memory_space<vmem>>, vector<1x784x128xf32>
    %get3A_3 = vector.shape_cast %get3A_2 : vector<1x784x128xf32> to vector<784x128xf32>
    %get3A_4 = arith.constant 1 : index
    %get3A_5 = arith.constant 0 : index
    %get3A_6 = arith.constant 0 : index
    %get3A_7 = vector.load %arg0[%get3A_4, %get3A_5, %get3A_6] : memref<2x784x128xf32, #tpu.memory_space<vmem>>, vector<1x784x128xf32>
    %get3A_8 = vector.shape_cast %get3A_7 : vector<1x784x128xf32> to vector<784x128xf32>
    %add3A = arith.addf %get3A_3, %get3A_8 : vector<784x128xf32>
    %swap3A = arith.constant 0 : index
    %swap3A_9 = arith.constant 0 : index
    %swap3A_10 = vector.load %arg1[%swap3A, %swap3A_9] : memref<784x128xf32, #tpu.memory_space<vmem>>, vector<784x128xf32>
    tpu.vector_store %arg1[%swap3A, %swap3A_9], %add3A {strides = array<i32>} : memref<784x128xf32, #tpu.memory_space<vmem>>, vector<784x128xf32>,
    return
  }
}

</mosaic_0001>

<sc_bundles>
// kernel: kernel.4.cloned.1.call-start
scs
__scs_entry_jumppad:
0x0: {  	(pc) =	sbr.rel $0x88, $3  }
0x1: {  	(tag) =	ssettag $0x0;
	lr =	simm.s32 $0x1  }
0x2: {  	[smem:$0x3F9E] =	sst lr;
	_ =	strace $0xD0000000  }
0x3: {  	_ = 	snop  }
0x4: {  	_ = 	snop  }
0x5: {  	_ = 	snop  }
0x6: {  	_ = 	snop  }
0x7: {  	_ = 	snop  }
__scs_overlays_trampoline_lowered:
0x8: {  	[smem:$0x3FAD] =	sst s0  }
0x9: {  	[smem:$0x3FAE] =	sst s1  }
0xa: {  	[smem:$0x3FAF] =	sst s2  }
0xb: {  	[smem:$0x3FB0] =	sst s3  }
0xc: {  	[smem:$0x3FB1] =	sst s4  }
0xd: {  	[smem:$0x3FB2] =	sst s5  }
0xe: {  	[smem:$0x3FB3] =	sst s6  }
0xf: {  	[smem:$0x3FB4] =	sst s7  }
0x10: {  	[smem:$0x3FB5] =	sst s8  }
0x11: {  	[smem:$0x3FB6] =	sst s9;
	s0 =	simm.s32 @!p0 $0x0  }
0x12: {  	s1 =	sld [smem:$0x3F9C];
	s0 =	simm.s32 @p0 $0x1  }
0x13: {  	[smem:$0x3FB7] =	sst s0;
	s0 =	simm.s32 @!p1 $0x0  }
0x14: {  	s2 =	sld [smem:$0x3F9B];
	s0 =	simm.s32 @p1 $0x1  }
0x15: {  	[smem:$0x3FB8] =	sst s0;
	s0 =	simm.s32 @!p2 $0x0  }
0x16: {  	s3 =	sld [smem:$0x3FDB];
	s0 =	simm.s32 @p2 $0x1  }
0x17: {  	s4 =	simm.s32 $0x1BF5;
	[smem:$0x3FBA] =	sst s0  }
0x18: {  	s0 =	sld [smem:$0x3F9D];
	_ =	swait.ge [sflag:s4], $0x0  }
0x19: {  	s7 =	sld [smem:$0x3F9E]  }
0x1a: {  	s8 =	sadd.s32 $0xFFFFE003, lr  }
0x1b: {  	s9 =	sadd.s32 $0xFFFFFEF7, lr;
	s5 =	simm.s32 $0xFFFFFFFF;
	p2 =	slt.u32 s8, $0xFFFFF086  }
0x1c: {  	p1 =	slt.u32 s9, $0xF7A;
	s5 =	simm.s32 @!p2 $0x0  }
0x1d: {  	s5 =	simm.s32 @p1 $0x1;
	p0 =	seq.s32 s7, s2  }
0x1e: {  	s7 =	smul.u32 @!p0 $0xF7A, s2;
	p2 =	seq.s32 @!p0 s5, $0x0  }
0x1f: {  	s9 =	smul.u32 $0xF7A, s1;
	s8 =	simm.s32 @!p0 $0x1BF5;
	p2 =	por !p2, p0  }
0x20: {  	[sflag:s8] =	ssyncset.s32 @!p0 $0xFFFFF086;
	s6 =	sadd.s32 @!p0 s3, s7;
	s7 =	simm.s32 @!p0 $0x108  }
0x21: {  	s3 =	sadd.s32 s3, s9;
	s6 =	sadd.s32 @!p0 $0x88, s6;
	s7 =	simm.s32 @p2 $0x1082  }
0x22: {  	[simem:s7], [sflag:s8] =	dma.local @!p0 [hbm:s6], $0xF7A  }
0x23: {  	s9 =	sor.u32 $0xD0000000, s2;
	s6 =	simm.s32 $0x108;
	_ =	swait.ge @!p0 [sflag:s8], $0x0  }
0x24: {  	s3 =	sadd.s32 $0x88, s3;
	s6 =	simm.s32 @!p1 $0x1082;
	[sflag:s4] =	ssyncset.s32 $0xFFFFF086  }
0x25: {  	[simem:s6], [sflag:s4] =	dma.local [hbm:s3], $0xF7A  }
0x26: {  	[smem:$0x3F9E] =	sst s1;
	(tag) =	ssettag s2;
	_ =	strace s9  }
0x27: {  	s1 =	sld [smem:$0x3FAE]  }
0x28: {  	s2 =	sld [smem:$0x3FAF]  }
0x29: {  	s4 =	sld [smem:$0x3FB1]  }
0x2a: {  	p0 =	seq.s32 s5, $0x0;
	s5 =	sld [smem:$0x3FB2]  }
0x2b: {  	s6 =	sld [smem:$0x3FB3]  }
0x2c: {  	s7 =	sld [smem:$0x3FB4]  }
0x2d: {  	s3 =	simm.s32 $0x108;
	s8 =	sld [smem:$0x3FB5]  }
0x2e: {  	s3 =	simm.s32 @!p0 $0x1082;
	s9 =	sld [smem:$0x3FB6]  }
0x2f: {  	lr =	sadd.s32 s0, s3;
	s0 =	sld [smem:$0x3FAD]  }
0x30: {  	s3 =	sld [smem:$0x3FB0]  }
0x31: {  	[smem:$0x3FB9] =	sst s10  }
0x32: {  	s10 =	sld [smem:$0x3FB7];
	_ =	sdelay $0x3  }
0x33: {  	p0 =	seq.s32 s10, $0x1;
	s10 =	sld [smem:$0x3FB9];
	_ =	sdelay $0x3  }
0x34: {  	[smem:$0x3FB9] =	sst s10  }
0x35: {  	s10 =	sld [smem:$0x3FB8];
	_ =	sdelay $0x3  }
0x36: {  	p1 =	seq.s32 s10, $0x1;
	s10 =	sld [smem:$0x3FB9];
	_ =	sdelay $0x3  }
0x37: {  	[smem:$0x3FB9] =	sst s10  }
0x38: {  	s10 =	sld [smem:$0x3FBA]  }
0x39: {  	_ = 	snop;
	(pc) =	sbr.ind lr, $3  }
0x3a: {  	_ = 	snop  }
0x3b: {  	_ = 	snop  }
0x3c: {  	p2 =	seq.s32 s10, $0x1;
	s10 =	sld [smem:$0x3FB9]  }
0x3d: {  	_ =	shalt  }
0x3e: {  	_ =	shalt  }
0x3f: {  	_ =	shalt  }
0x40: {  	_ =	shalt  }
0x41: {  	_ =	shalt  }
0x42: {  	_ =	shalt  }
0x43: {  	_ =	shalt  }
0x44: {  	_ =	shalt  }
0x45: {  	_ =	shalt  }
0x46: {  	_ =	shalt  }
0x47: {  	_ =	shalt  }
0x48: {  	_ =	shalt  }
0x49: {  	_ =	shalt  }
0x4a: {  	_ =	shalt  }
0x4b: {  	_ =	shalt  }
0x4c: {  	_ =	shalt  }
0x4d: {  	_ =	shalt  }
0x4e: {  	_ =	shalt  }
0x4f: {  	_ =	shalt  }
0x50: {  	_ =	shalt  }
0x51: {  	_ =	shalt  }
0x52: {  	_ =	shalt  }
0x53: {  	_ =	shalt  }
0x54: {  	_ =	shalt  }
0x55: {  	_ =	shalt  }
0x56: {  	_ =	shalt  }
0x57: {  	_ =	shalt  }
0x58: {  	_ =	shalt  }
0x59: {  	_ =	shalt  }
0x5a: {  	_ =	shalt  }
0x5b: {  	_ =	shalt  }
0x5c: {  	_ =	shalt  }
0x5d: {  	_ =	shalt  }
0x5e: {  	_ =	shalt  }
0x5f: {  	_ =	shalt  }
0x60: {  	_ =	shalt  }
0x61: {  	_ =	shalt  }
0x62: {  	_ =	shalt  }
0x63: {  	_ =	shalt  }
0x64: {  	_ =	shalt  }
0x65: {  	_ =	shalt  }
0x66: {  	_ =	shalt  }
0x67: {  	_ =	shalt  }
0x68: {  	_ =	shalt  }
0x69: {  	_ =	shalt  }
0x6a: {  	_ =	shalt  }
0x6b: {  	_ =	shalt  }
0x6c: {  	_ =	shalt  }
0x6d: {  	_ =	shalt  }
0x6e: {  	_ =	shalt  }
0x6f: {  	_ =	shalt  }
0x70: {  	_ =	shalt  }
0x71: {  	_ =	shalt  }
0x72: {  	_ =	shalt  }
0x73: {  	_ =	shalt  }
0x74: {  	_ =	shalt  }
0x75: {  	_ =	shalt  }
0x76: {  	_ =	shalt  }
0x77: {  	_ =	shalt  }
0x78: {  	_ =	shalt  }
0x79: {  	_ =	shalt  }
0x7a: {  	_ =	shalt  }
0x7b: {  	_ =	shalt  }
0x7c: {  	_ =	shalt  }
0x7d: {  	_ =	shalt  }
0x7e: {  	_ =	shalt  }
0x7f: {  	_ =	shalt  }
0x80: {  	_ =	shalt  }
0x81: {  	_ =	shalt  }
0x82: {  	_ =	shalt  }
0x83: {  	_ =	shalt  }
0x84: {  	_ =	shalt  }
0x85: {  	_ =	shalt  }
0x86: {  	_ =	shalt  }
0x87: {  	_ =	shalt  }
.Lfunc_end0:
.L_simem_size_0:
called_computation_lowered:
.L_overlay_start_0:
0x88: {  	s2 =	sld [smem:$0x3FD9]  }
0x89: {  	s3 =	sld [smem:$0x3FFE];
	_ =	sdelay $0x1  }
0x8a: {  	s1 =	srdreg.scid  }
0x8b: {  	s0 =	sand.u32 $0x1, s1  }
0x8c: {  	s17 =	sshll.u32 s0, $0xA;
	s2 =	sadd.s32 s3, s2  }
0x8d: {  	s2 =	sadd.s32 s2, s17  }
0x8e: {  	[smem:$0x3FC5] =	sst s2  }
0x8f: {  	_ = 	snop  }
0x90: {  	s2 =	sld [smem:$0x3FC8];
	(tm) =	ssettm $0x1  }
0x91: {  	s18 =	sld [smem:$0x3FFB];
	_ =	sdelay $0x3  }
0x92: {  	_ =	strace s18  }
0x93: {  	s3 =	sld [smem:$0x3FFC];
	_ =	sdelay $0x3  }
0x94: {  	_ =	strace s3  }
0x95: {  	s3 =	sld [smem:$0x3FFD];
	_ =	sdelay $0x3  }
0x96: {  	_ =	strace s3  }
0x97: {  	_ =	strace $0x8FFFFFFF  }
0x98: {  	s19 =	sld [smem:$0x3FDB];
	_ =	sdelay $0x1  }
0x99: {  	s4 =	simm.s32 $_scs_section_size  }
0x9a: {  	s5 =	simm.s32 $_size__tile_overlayer_lowered;
	s6 =	simm.s32 $_tile_overlayer_lowered  }
0x9b: {  	s22 =	simm.s32 $0x1BFF;
	s21 =	sshll.u32 s6, $0x1;
	s3 =	sadd.s32 s4, s19  }
0x9c: {  	s7 =	simm.s32 $0x0;
	s20 =	sshll.u32 s5, $0x1;
	s5 =	sadd.s32 s21, s3  }
0x9d: {  	[timem:s7], [sflag:s22] =	dma.local [hbm:s5], s20  }
0x9e: {  	_ =	swait.ge [sflag:s22], s20  }
0x9f: {  	s4 =	ssub.s32 $0x0, s20;
	[sflag:s22] =	ssyncset.done $0x0  }
0xa0: {  	[sflag:s22] =	ssyncadd.s32 s4;
	_ =	sdelay $0x1  }
0xa1: {  	s23 =	simm.s32 $0x1B8B  }
0xa2: {  	_ =	swait.ge [sflag:s23], $0x1  }
0xa3: {  	[sflag:s23] =	ssyncset.done $0x0  }
0xa4: {  	s25 =	simm.s32 $0x1B8E;
	s24 =	sld [smem:$0x3FFE];
	[sflag:s23] =	ssyncadd.s32 $0xFFFFFFFF  }
0xa5: {  	s26 =	simm.s32 $execute0_lowered;
	[smem:$0x3FD2] =	sst s25  }
0xa6: {  	s5 =	sshll.u32 s26, $0x1;
	_ =	strace $0x80000046;
	[dreg:$0x1] =	wrdreg $0xFFFFFFFF  }
0xa7: {  	s28 =	simm.s32 $_size_execute0_lowered;
	s3 =	sadd.s32 s3, s5;
	[dreg:$0x0] =	wrdreg $0x0  }
0xa8: {  	s5 =	sshll.u32 s28, $0x1;
	[dreg:$0x2] =	wrdreg s3  }
0xa9: {  	[dreg:$0x3] =	wrdreg s5  }
0xaa: {  	[dreg:$0x4] =	wrdreg $0xC0  }
0xab: {  	_ =	task [dreg:s7], $0x5FFFF  }
0xac: {  	[dreg:$0x1] =	wrdreg $0xFFFFFFFF  }
0xad: {  	[dreg:$0x0] =	wrdreg $0x60  }
0xae: {  	[dreg:$0x2] =	wrdreg s24  }
0xaf: {  	[dreg:$0x3] =	wrdreg s2  }
0xb0: {  	[dreg:$0x4] =	wrdreg $0x38800  }
0xb1: {  	[dreg:$0x5] =	wrdreg $0x9  }
0xb2: {  	_ =	task.clear_ibuf [dreg:s7], $0x6FFFF;
	_ =	strace $0x90000046  }
0xb3: {  	s29 =	simm.s32 $0x9;
	_ =	strace $0x80000048  }
0xb4: {  	_ =	swait.ge [sflag:s29], $0x1  }
0xb5: {  	[sflag:s29] =	ssyncadd.s32 $0xFFFFFFFF  }
0xb6: {  	_ =	strace $0x90000048  }
0xb7: {  	_ =	sfence  }
0xb8: {  	s30 =	sld [smem:$0x0];
	_ =	sdelay $0x2  }
0xb9: {  	s31 =	sshll.u32 s1, $0xD;
	s1 =	sshrl.u32 s1, $0x2  }
0xba: {  	s3 =	sand.u32 $0x4000, s31;
	s1 =	sadd.s32 s1, s30  }
0xbb: {  	s0 =	sor.u32 s3, s0;
	s1 =	sshll.u32 s1, $0x11  }
0xbc: {  	s0 =	sor.u32 s1, s0  }
0xbd: {  	s0 =	sadd.s32 $0x8F2B, s0  }
0xbe: {  	[sflag:s0] =	ssyncadd.remote.s32 $0x1  }
0xbf: {  	_ =	sfence.sel $0xFFFF  }
0xc0: {  	[dreg:$0x0] =	wrdreg $0xFFFFFFFF;
	(pc) =	sbr.abs _section_cstart, $3  }
0xc1: {  	[dreg:$0x1] =	wrdreg $0xFFFFFFFF  }
0xc2: {  	_ =	task.clear_ibuf [dreg:s7], $0x2FFFF;
	_ =	strace $0x9FFFFFFF  }
0xc3: {  	(tm) =	ssettm $0x7FFFFFFF  }
tec
execute0_lowered:
.L_overlay_start_1:
0x0: {  	(tag) =	ssettag $0x1  }
0x1: {  	s4 =	rddreg [dreg:$0x0]  }
0x2: {  	s12 =	rddreg [dreg:$0x1]  }
0x3: {  	s2 =	rddreg [dreg:$0x2]  }
0x4: {  	s0 =	rddreg [dreg:$0x3];
	s5 =	srdreg.scid  }
0x5: {  	s1 =	stileid.u32;
	s3 =	simm.s32 $0x0;
	s17 =	simm.s32 $0x1000  }
0x6: {  	s18 =	simm.s32 $0x1;
	s19 =	simm.s32 $0x80;
	s6 =	smul.u32 $0x1880, s1  }
0x7: {  	s20 =	simm.s32 $0x2;
	s5 =	sand.u32 $0x1, s5;
	s29 =	smul.u32 $0x186, s1  }
0x8: {  	[smem:$0x7FF] =	sst s3;
	s14 =	sadd.s32 $0x200, s4;
	s7 =	smul.u32 $0x18800, s5  }
0x9: {  	s8 =	sshll.u32 s5, $0x4;
	_ =	strace $0x80000047;
	s9 =	ssub.s32 $0x2, s5  }
0xa: {  	s28 =	smul.u32 $0x1860, s5;
	s21 =	sor.u32 s1, s8;
	s25 =	sshrl.u32 s9, $0x1  }
0xb: {  	s7 =	sadd.s32 s6, s7;
	s8 =	smul.u32 $0x186, s21;
	s10 =	smin.u32 s21, $0x14  }
0xc: {  	s13 =	ssub.s32 s9, s25;
	p0 =	sgt.u32 s21, $0x13;
	s7 =	sshrl.u32 s7, $0x3  }
0xd: {  	s21 =	simm.s32 $0x0;
	s11 =	sadd.s32 s7, s4;
	s26 =	sadd.s32 s10, s8  }
0xe: {  	s4 =	sadd.s32 s6, s2;
	s8 =	sor.u32 s28, s10;
	s7 =	sshll.u32 s26, $0x4  }
0xf: {  	s10 =	sadd.s32 s29, s8;
	s11 =	sadd.s32 $0x31000, s11;
	s15 =	sadd.s32 $0x1800, s7  }
0x10: {  	s5 =	sadd.s32 s12, s7;
	s6 =	sadd.s32 s14, s7;
	s30 =	sshll.u32 s10, $0x4  }
0x11: {  	s16 =	sand.u32 $0x1FFFFFF0, s15;
	s9 =	sadd.s32 s12, s15;
	s10 =	sadd.s32 s14, s15  }
0x12: {  	s31 =	sadd.s32 s30, s12;
	s15 =	simm.s32 $0x2000;
	s7 =	sadd.s32 s12, s16  }
0x13: {  	s8 =	sadd.s32 s14, s16;
	s12 =	smax.u32 s13, $0x1;
	s14 =	sadd.s32 s30, s14  }
0x14: {  	v0 =	vimm.f32 $0.0e+00;
	s13 =	sadd.s32 $0x100, s31;
	s16 =	simm.s32 $0x3;
	s14 =	sadd.s32 $0x100, s14  }
.LBB2_1:
0x15: {  	s22 =	simm.s32 $0x40;
	s23 =	simm.s32 $0x0  }
.LBB2_2:
0x16: {  	p1 =	sne.s32 s22, $0x61C0;
	[tilespmem:s23+$0x2000] =	vst v0;
	s23 =	smov.u32 s22;
	s22 =	sadd.s32 $0x40, s22  }
.Ltmp0:
0x17: {  	(pc) =	sbr.rel @p1 .LBB2_2-.Ltmp0, $2  }
0x18: {  	_ =	sdelay $0x2  }
0x19: {  	s23 =	sshra.s32 s23, $0x2  }
0x1a: {  	[tilespmem:s23+$0x2000] =	vst v0  }
0x1b: {  	[spmem:s4] =	stream.linear.scatter [tilespmem:s15], [sflag:$0x3], $0x1880, $0x38;
	[tilespmem:$0x5100] =	vst v63  }
0x1c: {  	_ =	swait.ge [sflag:s16], $0x1880  }
0x1d: {  	[sflag:s16] =	ssyncset.done $0x0  }
0x1e: {  	[sflag:s16] =	ssyncadd.s32 $0xFFFFE780  }
0x1f: {  	[bflag:$0x0] =	sbarrier.arrive $0xFFFF  }
0x20: {  	[tilespmem:s3], [sflag:$0x1] =	stream.linear.gather [hbm4b:s5+s3], $0x800, $0x38;
	[tilespmem:$0x5100] =	vst v63  }
0x21: {  	_ = 	snop  }
0x22: {  	[tilespmem:s17], [sflag:$0x1] =	stream.linear.gather [hbm4b:s6+s3], $0x800, $0x38;
	[tilespmem:$0x5100] =	vst v63  }
0x23: {  	_ =	swait.ge [sflag:s18], $0x800  }
0x24: {  	[sflag:s18] =	ssyncset.done $0x0  }
0x25: {  	[sflag:s18] =	ssyncadd.s32 $0xFFFFF800  }
0x26: {  	_ =	swait.ge [sflag:s18], $0x800  }
0x27: {  	s22 =	simm.s32 $0x800;
	p1 =	por $0x0, $0x0;
	[sflag:s18] =	ssyncset.done $0x0  }
0x28: {  	s22 =	sand.u32 @!p1 $0x800, s22;
	s23 =	simm.s32 @!p1 $0x0;
	[sflag:s18] =	ssyncadd.s32 $0xFFFFF800  }
0x29: {  	[tilespmem:s22], [sflag:$0x1] =	stream.linear.gather @!p1 [hbm4b:s13+s23], $0x800, $0x38;
	[tilespmem:$0x5100] =	vst v63  }
0x2a: {  	s24 =	simm.s32 $0x0;
	s22 =	sor.u32 @!p1 $0x1000, s22  }
0x2b: {  	[tilespmem:s22], [sflag:$0x1] =	stream.linear.gather @!p1 [hbm4b:s14+s23], $0x800, $0x38;
	[tilespmem:$0x5100] =	vst v63  }
0x2c: {  	s22 =	sand.u32 $0x800, s24  }
0x2d: {  	s28 =	sor.u32 $0x1000, s22  }
0x2e: {  	[spmem:s2] =	stream.indirect.scatter.add.f32 [tilespmem:s28], [sflag:$0x2], $0x1, s22, s19, $0xb8;
	[tilespmem:$0x5100] =	vst v63  }
0x2f: {  	s29 =	sor.u32 $0x80, s22;
	s24 =	sor.u32 $0x1080, s22  }
0x30: {  	[spmem:s2] =	stream.indirect.scatter.add.f32 [tilespmem:s24], [sflag:$0x2], $0x1, s29, s19, $0xb8;
	[tilespmem:$0x5100] =	vst v63  }
0x31: {  	s30 =	sor.u32 $0x100, s22;
	s31 =	sor.u32 $0x1100, s22  }
0x32: {  	[spmem:s2] =	stream.indirect.scatter.add.f32 [tilespmem:s31], [sflag:$0x2], $0x1, s30, s19, $0xb8;
	[tilespmem:$0x5100] =	vst v63  }
0x33: {  	s25 =	sor.u32 $0x180, s22;
	s26 =	sor.u32 $0x1180, s22  }
0x34: {  	[spmem:s2] =	stream.indirect.scatter.add.f32 [tilespmem:s26], [sflag:$0x2], $0x1, s25, s19, $0xb8;
	[tilespmem:$0x5100] =	vst v63  }
0x35: {  	s28 =	sor.u32 $0x200, s22;
	s29 =	sor.u32 $0x1200, s22  }
0x36: {  	[spmem:s2] =	stream.indirect.scatter.add.f32 [tilespmem:s29], [sflag:$0x2], $0x1, s28, s19, $0xb8;
	[tilespmem:$0x5100] =	vst v63  }
0x37: {  	s30 =	sor.u32 $0x280, s22;
	s31 =	sor.u32 $0x1280, s22  }
0x38: {  	[spmem:s2] =	stream.indirect.scatter.add.f32 [tilespmem:s31], [sflag:$0x2], $0x1, s30, s19, $0xb8;
	[tilespmem:$0x5100] =	vst v63  }
0x39: {  	s25 =	sor.u32 $0x300, s22;
	s26 =	sor.u32 $0x1300, s22  }
0x3a: {  	[spmem:s2] =	stream.indirect.scatter.add.f32 [tilespmem:s26], [sflag:$0x2], $0x1, s25, s19, $0xb8;
	[tilespmem:$0x5100] =	vst v63  }
0x3b: {  	s28 =	sor.u32 $0x380, s22;
	s29 =	sor.u32 $0x1380, s22  }
0x3c: {  	[spmem:s2] =	stream.indirect.scatter.add.f32 [tilespmem:s29], [sflag:$0x2], $0x1, s28, s19, $0xb8;
	[tilespmem:$0x5100] =	vst v63  }
0x3d: {  	s30 =	sor.u32 $0x400, s22;
	s31 =	sor.u32 $0x1400, s22  }
0x3e: {  	[spmem:s2] =	stream.indirect.scatter.add.f32 [tilespmem:s31], [sflag:$0x2], $0x1, s30, s19, $0xb8;
	[tilespmem:$0x5100] =	vst v63  }
0x3f: {  	s25 =	sor.u32 $0x480, s22;
	s26 =	sor.u32 $0x1480, s22  }
0x40: {  	[spmem:s2] =	stream.indirect.scatter.add.f32 [tilespmem:s26], [sflag:$0x2], $0x1, s25, s19, $0xb8;
	[tilespmem:$0x5100] =	vst v63  }
0x41: {  	s28 =	sor.u32 $0x500, s22;
	s29 =	sor.u32 $0x1500, s22  }
0x42: {  	[spmem:s2] =	stream.indirect.scatter.add.f32 [tilespmem:s29], [sflag:$0x2], $0x1, s28, s19, $0xb8;
	[tilespmem:$0x5100] =	vst v63  }
0x43: {  	s30 =	sor.u32 $0x580, s22;
	s31 =	sor.u32 $0x1580, s22  }
0x44: {  	[spmem:s2] =	stream.indirect.scatter.add.f32 [tilespmem:s31], [sflag:$0x2], $0x1, s30, s19, $0xb8;
	[tilespmem:$0x5100] =	vst v63  }
0x45: {  	s24 =	sor.u32 $0x600, s22;
	s25 =	sor.u32 $0x1600, s22  }
0x46: {  	[spmem:s2] =	stream.indirect.scatter.add.f32 [tilespmem:s25], [sflag:$0x2], $0x1, s24, s19, $0xb8;
	[tilespmem:$0x5100] =	vst v63  }
0x47: {  	s26 =	sor.u32 $0x680, s22;
	s28 =	sor.u32 $0x1680, s22  }
0x48: {  	[spmem:s2] =	stream.indirect.scatter.add.f32 [tilespmem:s28], [sflag:$0x2], $0x1, s26, s19, $0xb8;
	[tilespmem:$0x5100] =	vst v63  }
0x49: {  	s29 =	sor.u32 $0x700, s22;
	s30 =	sor.u32 $0x1700, s22  }
0x4a: {  	[spmem:s2] =	stream.indirect.scatter.add.f32 [tilespmem:s30], [sflag:$0x2], $0x1, s29, s19, $0xb8;
	[tilespmem:$0x5100] =	vst v63  }
0x4b: {  	s31 =	sor.u32 $0x780, s22;
	s22 =	sor.u32 $0x1780, s22  }
0x4c: {  	[spmem:s2] =	stream.indirect.scatter.add.f32 [tilespmem:s22], [sflag:$0x2], $0x1, s31, s19, $0xb8;
	[tilespmem:$0x5100] =	vst v63  }
0x4d: {  	_ =	swait.ge [sflag:s20], $0x80  }
0x4e: {  	[sflag:s20] =	ssyncset.done $0x0  }
0x4f: {  	[sflag:s20] =	ssyncadd.s32 $0xFFFFFF80  }
0x50: {  	_ =	swait.ge [sflag:s20], $0x80  }
0x51: {  	[sflag:s20] =	ssyncset.done $0x0  }
0x52: {  	[sflag:s20] =	ssyncadd.s32 $0xFFFFFF80  }
0x53: {  	_ =	swait.ge [sflag:s20], $0x80  }
0x54: {  	[sflag:s20] =	ssyncset.done $0x0  }
0x55: {  	[sflag:s20] =	ssyncadd.s32 $0xFFFFFF80  }
0x56: {  	_ =	swait.ge [sflag:s20], $0x80  }
0x57: {  	[sflag:s20] =	ssyncset.done $0x0  }
0x58: {  	[sflag:s20] =	ssyncadd.s32 $0xFFFFFF80  }
0x59: {  	_ =	swait.ge [sflag:s20], $0x80  }
0x5a: {  	[sflag:s20] =	ssyncset.done $0x0  }
0x5b: {  	[sflag:s20] =	ssyncadd.s32 $0xFFFFFF80  }
0x5c: {  	_ =	swait.ge [sflag:s20], $0x80  }
0x5d: {  	[sflag:s20] =	ssyncset.done $0x0  }
0x5e: {  	[sflag:s20] =	ssyncadd.s32 $0xFFFFFF80  }
0x5f: {  	_ =	swait.ge [sflag:s20], $0x80  }
0x60: {  	[sflag:s20] =	ssyncset.done $0x0  }
0x61: {  	[sflag:s20] =	ssyncadd.s32 $0xFFFFFF80  }
0x62: {  	_ =	swait.ge [sflag:s20], $0x80  }
0x63: {  	[sflag:s20] =	ssyncset.done $0x0  }
0x64: {  	[sflag:s20] =	ssyncadd.s32 $0xFFFFFF80  }
0x65: {  	_ =	swait.ge [sflag:s20], $0x80  }
0x66: {  	[sflag:s20] =	ssyncset.done $0x0  }
0x67: {  	[sflag:s20] =	ssyncadd.s32 $0xFFFFFF80  }
0x68: {  	_ =	swait.ge [sflag:s20], $0x80  }
0x69: {  	[sflag:s20] =	ssyncset.done $0x0  }
0x6a: {  	[sflag:s20] =	ssyncadd.s32 $0xFFFFFF80  }
0x6b: {  	_ =	swait.ge [sflag:s20], $0x80  }
0x6c: {  	[sflag:s20] =	ssyncset.done $0x0  }
0x6d: {  	[sflag:s20] =	ssyncadd.s32 $0xFFFFFF80  }
0x6e: {  	_ =	swait.ge [sflag:s20], $0x80  }
0x6f: {  	[sflag:s20] =	ssyncset.done $0x0  }
0x70: {  	[sflag:s20] =	ssyncadd.s32 $0xFFFFFF80  }
0x71: {  	_ =	swait.ge [sflag:s20], $0x80  }
0x72: {  	[sflag:s20] =	ssyncset.done $0x0  }
0x73: {  	[sflag:s20] =	ssyncadd.s32 $0xFFFFFF80  }
0x74: {  	_ =	swait.ge [sflag:s20], $0x80  }
0x75: {  	[sflag:s20] =	ssyncset.done $0x0  }
0x76: {  	[sflag:s20] =	ssyncadd.s32 $0xFFFFFF80  }
0x77: {  	_ =	swait.ge [sflag:s20], $0x80  }
0x78: {  	[sflag:s20] =	ssyncset.done $0x0  }
0x79: {  	s23 =	sadd.s32 $0x100, s14;
	[sflag:s20] =	ssyncadd.s32 $0xFFFFFF80  }
0x7a: {  	s24 =	smov.u32 s13;
	s22 =	simm.s32 $0x1000;
	_ =	swait.ge [sflag:s20], $0x80  }
.LBB2_4:
0x7b: {  	[sflag:s20] =	ssyncset.done $0x0  }
0x7c: {  	s24 =	sadd.s32 $0x100, s24;
	s25 =	smov.u32 s22;
	s22 =	sadd.s32 $0x800, s22  }
0x7d: {  	p1 =	sne.s32 s22, $0xC800;
	[sflag:s20] =	ssyncadd.s32 $0xFFFFFF80  }
0x7e: {  	_ =	swait.ge [sflag:s18], $0x800  }
0x7f: {  	[sflag:s18] =	ssyncset.done $0x0  }
0x80: {  	[sflag:s18] =	ssyncadd.s32 $0xFFFFF800  }
0x81: {  	_ =	swait.ge [sflag:s18], $0x800  }
0x82: {  	p2 =	seq.s32 s25, $0xC000;
	[sflag:s18] =	ssyncset.done $0x0  }
0x83: {  	s26 =	sand.u32 @!p2 $0x800, s25;
	s28 =	simm.s32 @!p2 $0x0;
	[sflag:s18] =	ssyncadd.s32 $0xFFFFF800  }
0x84: {  	[tilespmem:s26], [sflag:$0x1] =	stream.linear.gather @!p2 [hbm4b:s24+s28], $0x800, $0x38;
	[tilespmem:$0x5100] =	vst v63  }
0x85: {  	s25 =	sadd.s32 $0xFFFFF800, s25;
	s26 =	sor.u32 @!p2 $0x1000, s26  }
0x86: {  	[tilespmem:s26], [sflag:$0x1] =	stream.linear.gather @!p2 [hbm4b:s23+s28], $0x800, $0x38;
	[tilespmem:$0x5100] =	vst v63  }
0x87: {  	s25 =	sand.u32 $0x800, s25  }
0x88: {  	s29 =	sor.u32 $0x1080, s25;
	s26 =	sor.u32 $0x1000, s25;
	s28 =	sor.u32 $0x80, s25  }
0x89: {  	[spmem:s2] =	stream.indirect.scatter.add.f32 [tilespmem:s26], [sflag:$0x2], $0x1, s25, s19, $0xb8;
	[tilespmem:$0x5100] =	vst v63  }
0x8a: {  	s30 =	sor.u32 $0x1100, s25;
	s26 =	sor.u32 $0x100, s25  }
0x8b: {  	[spmem:s2] =	stream.indirect.scatter.add.f32 [tilespmem:s29], [sflag:$0x2], $0x1, s28, s19, $0xb8;
	[tilespmem:$0x5100] =	vst v63  }
0x8c: {  	s28 =	sor.u32 $0x180, s25;
	s29 =	sor.u32 $0x1180, s25  }
0x8d: {  	[spmem:s2] =	stream.indirect.scatter.add.f32 [tilespmem:s30], [sflag:$0x2], $0x1, s26, s19, $0xb8;
	[tilespmem:$0x5100] =	vst v63  }
0x8e: {  	s26 =	sor.u32 $0x200, s25;
	s30 =	sor.u32 $0x1200, s25  }
0x8f: {  	[spmem:s2] =	stream.indirect.scatter.add.f32 [tilespmem:s29], [sflag:$0x2], $0x1, s28, s19, $0xb8;
	[tilespmem:$0x5100] =	vst v63  }
0x90: {  	s28 =	sor.u32 $0x280, s25;
	s29 =	sor.u32 $0x1280, s25  }
0x91: {  	[spmem:s2] =	stream.indirect.scatter.add.f32 [tilespmem:s30], [sflag:$0x2], $0x1, s26, s19, $0xb8;
	[tilespmem:$0x5100] =	vst v63  }
0x92: {  	s26 =	sor.u32 $0x300, s25;
	s30 =	sor.u32 $0x1300, s25  }
0x93: {  	[spmem:s2] =	stream.indirect.scatter.add.f32 [tilespmem:s29], [sflag:$0x2], $0x1, s28, s19, $0xb8;
	[tilespmem:$0x5100] =	vst v63  }
0x94: {  	s28 =	sor.u32 $0x380, s25;
	s29 =	sor.u32 $0x1380, s25  }
0x95: {  	[spmem:s2] =	stream.indirect.scatter.add.f32 [tilespmem:s30], [sflag:$0x2], $0x1, s26, s19, $0xb8;
	[tilespmem:$0x5100] =	vst v63  }
0x96: {  	s26 =	sor.u32 $0x400, s25;
	s30 =	sor.u32 $0x1400, s25  }
0x97: {  	[spmem:s2] =	stream.indirect.scatter.add.f32 [tilespmem:s29], [sflag:$0x2], $0x1, s28, s19, $0xb8;
	[tilespmem:$0x5100] =	vst v63  }
0x98: {  	s28 =	sor.u32 $0x480, s25;
	s29 =	sor.u32 $0x1480, s25  }
0x99: {  	[spmem:s2] =	stream.indirect.scatter.add.f32 [tilespmem:s30], [sflag:$0x2], $0x1, s26, s19, $0xb8;
	[tilespmem:$0x5100] =	vst v63  }
0x9a: {  	s26 =	sor.u32 $0x500, s25;
	s30 =	sor.u32 $0x1500, s25  }
0x9b: {  	[spmem:s2] =	stream.indirect.scatter.add.f32 [tilespmem:s29], [sflag:$0x2], $0x1, s28, s19, $0xb8;
	[tilespmem:$0x5100] =	vst v63  }
0x9c: {  	s28 =	sor.u32 $0x580, s25;
	s29 =	sor.u32 $0x1580, s25  }
0x9d: {  	[spmem:s2] =	stream.indirect.scatter.add.f32 [tilespmem:s30], [sflag:$0x2], $0x1, s26, s19, $0xb8;
	[tilespmem:$0x5100] =	vst v63  }
0x9e: {  	s26 =	sor.u32 $0x600, s25;
	s30 =	sor.u32 $0x1600, s25  }
0x9f: {  	[spmem:s2] =	stream.indirect.scatter.add.f32 [tilespmem:s29], [sflag:$0x2], $0x1, s28, s19, $0xb8;
	[tilespmem:$0x5100] =	vst v63  }
0xa0: {  	s28 =	sor.u32 $0x680, s25;
	s29 =	sor.u32 $0x1680, s25  }
0xa1: {  	[spmem:s2] =	stream.indirect.scatter.add.f32 [tilespmem:s30], [sflag:$0x2], $0x1, s26, s19, $0xb8;
	[tilespmem:$0x5100] =	vst v63  }
0xa2: {  	s26 =	sor.u32 $0x700, s25;
	s30 =	sor.u32 $0x1700, s25  }
0xa3: {  	[spmem:s2] =	stream.indirect.scatter.add.f32 [tilespmem:s29], [sflag:$0x2], $0x1, s28, s19, $0xb8;
	[tilespmem:$0x5100] =	vst v63  }
0xa4: {  	s28 =	sor.u32 $0x780, s25;
	s25 =	sor.u32 $0x1780, s25  }
0xa5: {  	[spmem:s2] =	stream.indirect.scatter.add.f32 [tilespmem:s30], [sflag:$0x2], $0x1, s26, s19, $0xb8;
	[tilespmem:$0x5100] =	vst v63  }
0xa6: {  	_ = 	snop  }
0xa7: {  	[spmem:s2] =	stream.indirect.scatter.add.f32 [tilespmem:s25], [sflag:$0x2], $0x1, s28, s19, $0xb8;
	[tilespmem:$0x5100] =	vst v63  }
0xa8: {  	_ =	swait.ge [sflag:s20], $0x80  }
0xa9: {  	[sflag:s20] =	ssyncset.done $0x0  }
0xaa: {  	[sflag:s20] =	ssyncadd.s32 $0xFFFFFF80  }
0xab: {  	_ =	swait.ge [sflag:s20], $0x80  }
0xac: {  	[sflag:s20] =	ssyncset.done $0x0  }
0xad: {  	[sflag:s20] =	ssyncadd.s32 $0xFFFFFF80  }
0xae: {  	_ =	swait.ge [sflag:s20], $0x80  }
0xaf: {  	[sflag:s20] =	ssyncset.done $0x0  }
0xb0: {  	[sflag:s20] =	ssyncadd.s32 $0xFFFFFF80  }
0xb1: {  	_ =	swait.ge [sflag:s20], $0x80  }
0xb2: {  	[sflag:s20] =	ssyncset.done $0x0  }
0xb3: {  	[sflag:s20] =	ssyncadd.s32 $0xFFFFFF80  }
0xb4: {  	_ =	swait.ge [sflag:s20], $0x80  }
0xb5: {  	[sflag:s20] =	ssyncset.done $0x0  }
0xb6: {  	[sflag:s20] =	ssyncadd.s32 $0xFFFFFF80  }
0xb7: {  	_ =	swait.ge [sflag:s20], $0x80  }
0xb8: {  	[sflag:s20] =	ssyncset.done $0x0  }
0xb9: {  	[sflag:s20] =	ssyncadd.s32 $0xFFFFFF80  }
0xba: {  	_ =	swait.ge [sflag:s20], $0x80  }
0xbb: {  	[sflag:s20] =	ssyncset.done $0x0  }
0xbc: {  	[sflag:s20] =	ssyncadd.s32 $0xFFFFFF80  }
0xbd: {  	_ =	swait.ge [sflag:s20], $0x80  }
0xbe: {  	[sflag:s20] =	ssyncset.done $0x0  }
0xbf: {  	[sflag:s20] =	ssyncadd.s32 $0xFFFFFF80  }
0xc0: {  	_ =	swait.ge [sflag:s20], $0x80  }
0xc1: {  	[sflag:s20] =	ssyncset.done $0x0  }
0xc2: {  	[sflag:s20] =	ssyncadd.s32 $0xFFFFFF80  }
0xc3: {  	_ =	swait.ge [sflag:s20], $0x80  }
0xc4: {  	[sflag:s20] =	ssyncset.done $0x0  }
0xc5: {  	[sflag:s20] =	ssyncadd.s32 $0xFFFFFF80  }
0xc6: {  	_ =	swait.ge [sflag:s20], $0x80  }
0xc7: {  	[sflag:s20] =	ssyncset.done $0x0  }
0xc8: {  	[sflag:s20] =	ssyncadd.s32 $0xFFFFFF80  }
0xc9: {  	_ =	swait.ge [sflag:s20], $0x80  }
0xca: {  	[sflag:s20] =	ssyncset.done $0x0  }
0xcb: {  	[sflag:s20] =	ssyncadd.s32 $0xFFFFFF80  }
0xcc: {  	_ =	swait.ge [sflag:s20], $0x80  }
0xcd: {  	[sflag:s20] =	ssyncset.done $0x0  }
0xce: {  	[sflag:s20] =	ssyncadd.s32 $0xFFFFFF80  }
0xcf: {  	_ =	swait.ge [sflag:s20], $0x80  }
0xd0: {  	[sflag:s20] =	ssyncset.done $0x0  }
.Ltmp1:
0xd1: {  	[sflag:s20] =	ssyncadd.s32 $0xFFFFFF80;
	(pc) =	sbr.rel @p1 .LBB2_4-.Ltmp1, $4  }
0xd2: {  	_ =	swait.ge [sflag:s20], $0x80  }
0xd3: {  	[sflag:s20] =	ssyncset.done $0x0  }
0xd4: {  	[sflag:s20] =	ssyncadd.s32 $0xFFFFFF80  }
0xd5: {  	s23 =	sadd.s32 $0x100, s23;
	_ =	swait.ge [sflag:s20], $0x80  }
0xd6: {  	[sflag:s20] =	ssyncset.done $0x0  }
0xd7: {  	s22 =	simm.s32 @p0 $0x0;
	s23 =	simm.s32 @p0 $0x3;
	[sflag:s20] =	ssyncadd.s32 $0xFFFFFF80  }
0xd8: {  	[tilespmem:s22], [sflag:$0x3] =	stream.linear.gather @p0 [hbm4b:s7+s22], $0x300, $0x38;
	[tilespmem:$0x5100] =	vst v63  }
0xd9: {  	_ =	swait.ge @p0 [sflag:s23], $0x300  }
0xda: {  	[sflag:s23] =	ssyncset.done @p0 $0x0  }
0xdb: {  	s24 =	simm.s32 @p0 $0x1000;
	[sflag:s23] =	ssyncadd.s32 @p0 $0xFFFFFD00  }
0xdc: {  	[tilespmem:s24], [sflag:$0x3] =	stream.linear.gather @p0 [hbm4b:s8+s22], $0x300, $0x38;
	[tilespmem:$0x5100] =	vst v63  }
0xdd: {  	_ =	swait.ge @p0 [sflag:s23], $0x300  }
0xde: {  	[sflag:s23] =	ssyncset.done @p0 $0x0  }
0xdf: {  	[sflag:s23] =	ssyncadd.s32 @p0 $0xFFFFFD00;
	s23 =	simm.s32 @p0 $0x80  }
0xe0: {  	[spmem:s2] =	stream.indirect.scatter.add.f32 @p0 [tilespmem:s24], [sflag:$0x2], $0x1, s22, s23, $0xb8;
	[tilespmem:$0x5100] =	vst v63  }
0xe1: {  	s22 =	simm.s32 @p0 $0x1080  }
0xe2: {  	[spmem:s2] =	stream.indirect.scatter.add.f32 @p0 [tilespmem:s22], [sflag:$0x2], $0x1, s23, s23, $0xb8;
	[tilespmem:$0x5100] =	vst v63  }
0xe3: {  	s24 =	simm.s32 @p0 $0x1100;
	s22 =	simm.s32 @p0 $0x100  }
0xe4: {  	[spmem:s2] =	stream.indirect.scatter.add.f32 @p0 [tilespmem:s24], [sflag:$0x2], $0x1, s22, s23, $0xb8;
	[tilespmem:$0x5100] =	vst v63  }
0xe5: {  	s22 =	simm.s32 @p0 $0x180;
	s24 =	simm.s32 @p0 $0x1180  }
0xe6: {  	[spmem:s2] =	stream.indirect.scatter.add.f32 @p0 [tilespmem:s24], [sflag:$0x2], $0x1, s22, s23, $0xb8;
	[tilespmem:$0x5100] =	vst v63  }
0xe7: {  	s22 =	simm.s32 @p0 $0x200;
	s24 =	simm.s32 @p0 $0x1200  }
0xe8: {  	[spmem:s2] =	stream.indirect.scatter.add.f32 @p0 [tilespmem:s24], [sflag:$0x2], $0x1, s22, s23, $0xb8;
	[tilespmem:$0x5100] =	vst v63  }
0xe9: {  	s22 =	simm.s32 @p0 $0x280;
	s24 =	simm.s32 @p0 $0x1280  }
0xea: {  	[spmem:s2] =	stream.indirect.scatter.add.f32 @p0 [tilespmem:s24], [sflag:$0x2], $0x1, s22, s23, $0xb8;
	[tilespmem:$0x5100] =	vst v63  }
0xeb: {  	s22 =	simm.s32 @!p0 $0x0;
	s23 =	simm.s32 @!p0 $0x3  }
0xec: {  	[tilespmem:s22], [sflag:$0x3] =	stream.linear.gather @!p0 [hbm4b:s9+s22], $0x380, $0x38;
	[tilespmem:$0x5100] =	vst v63  }
0xed: {  	_ =	swait.ge @!p0 [sflag:s23], $0x380  }
0xee: {  	[sflag:s23] =	ssyncset.done @!p0 $0x0  }
0xef: {  	s24 =	simm.s32 @!p0 $0x1000;
	[sflag:s23] =	ssyncadd.s32 @!p0 $0xFFFFFC80  }
0xf0: {  	[tilespmem:s24], [sflag:$0x3] =	stream.linear.gather @!p0 [hbm4b:s10+s22], $0x380, $0x38;
	[tilespmem:$0x5100] =	vst v63  }
0xf1: {  	_ =	swait.ge @!p0 [sflag:s23], $0x380  }
0xf2: {  	[sflag:s23] =	ssyncset.done @!p0 $0x0  }
0xf3: {  	[sflag:s23] =	ssyncadd.s32 @!p0 $0xFFFFFC80;
	s23 =	simm.s32 @!p0 $0x80  }
0xf4: {  	[spmem:s2] =	stream.indirect.scatter.add.f32 @!p0 [tilespmem:s24], [sflag:$0x2], $0x1, s22, s23, $0xb8;
	[tilespmem:$0x5100] =	vst v63  }
0xf5: {  	s22 =	simm.s32 @!p0 $0x1080  }
0xf6: {  	[spmem:s2] =	stream.indirect.scatter.add.f32 @!p0 [tilespmem:s22], [sflag:$0x2], $0x1, s23, s23, $0xb8;
	[tilespmem:$0x5100] =	vst v63  }
0xf7: {  	s24 =	simm.s32 @!p0 $0x1100;
	s22 =	simm.s32 @!p0 $0x100  }
0xf8: {  	[spmem:s2] =	stream.indirect.scatter.add.f32 @!p0 [tilespmem:s24], [sflag:$0x2], $0x1, s22, s23, $0xb8;
	[tilespmem:$0x5100] =	vst v63  }
0xf9: {  	s22 =	simm.s32 @!p0 $0x180;
	s24 =	simm.s32 @!p0 $0x1180  }
0xfa: {  	[spmem:s2] =	stream.indirect.scatter.add.f32 @!p0 [tilespmem:s24], [sflag:$0x2], $0x1, s22, s23, $0xb8;
	[tilespmem:$0x5100] =	vst v63  }
0xfb: {  	s22 =	simm.s32 @!p0 $0x200;
	s24 =	simm.s32 @!p0 $0x1200  }
0xfc: {  	[spmem:s2] =	stream.indirect.scatter.add.f32 @!p0 [tilespmem:s24], [sflag:$0x2], $0x1, s22, s23, $0xb8;
	[tilespmem:$0x5100] =	vst v63  }
0xfd: {  	s22 =	simm.s32 @!p0 $0x280;
	s24 =	simm.s32 @!p0 $0x1280  }
0xfe: {  	[spmem:s2] =	stream.indirect.scatter.add.f32 @!p0 [tilespmem:s24], [sflag:$0x2], $0x1, s22, s23, $0xb8;
	[tilespmem:$0x5100] =	vst v63  }
0xff: {  	s22 =	simm.s32 @!p0 $0x300;
	s24 =	simm.s32 @!p0 $0x1300  }
0x100: {  	[spmem:s2] =	stream.indirect.scatter.add.f32 @!p0 [tilespmem:s24], [sflag:$0x2], $0x1, s22, s23, $0xb8;
	[tilespmem:$0x5100] =	vst v63  }
0x101: {  	s22 =	simm.s32 @!p0 $0x2  }
0x102: {  	_ =	swait.ge @!p0 [sflag:s22], $0x80  }
0x103: {  	[sflag:s22] =	ssyncset.done @!p0 $0x0  }
0x104: {  	[sflag:s22] =	ssyncadd.s32 @!p0 $0xFFFFFF80  }
0x105: {  	_ =	swait.ge [sflag:s20], $0x80  }
0x106: {  	[sflag:s20] =	ssyncset.done $0x0  }
0x107: {  	[sflag:s20] =	ssyncadd.s32 $0xFFFFFF80  }
0x108: {  	_ =	swait.ge [sflag:s20], $0x80  }
0x109: {  	[sflag:s20] =	ssyncset.done $0x0  }
0x10a: {  	[sflag:s20] =	ssyncadd.s32 $0xFFFFFF80  }
0x10b: {  	_ =	swait.ge [sflag:s20], $0x80  }
0x10c: {  	[sflag:s20] =	ssyncset.done $0x0  }
0x10d: {  	[sflag:s20] =	ssyncadd.s32 $0xFFFFFF80  }
0x10e: {  	_ =	swait.ge [sflag:s20], $0x80  }
0x10f: {  	[sflag:s20] =	ssyncset.done $0x0  }
0x110: {  	[sflag:s20] =	ssyncadd.s32 $0xFFFFFF80  }
0x111: {  	_ =	swait.ge [sflag:s20], $0x80  }
0x112: {  	[sflag:s20] =	ssyncset.done $0x0  }
0x113: {  	[sflag:s20] =	ssyncadd.s32 $0xFFFFFF80  }
0x114: {  	_ =	swait.ge [sflag:s20], $0x80  }
0x115: {  	s30 =	sshll.u32 s1, $0x6;
	s21 =	sadd.s32 $0x1, s21;
	[sflag:s20] =	ssyncset.done $0x0  }
0x116: {  	s31 =	sshrl.u32 s4, $0x3;
	p1 =	sne.s32 s21, s12;
	[sflag:s20] =	ssyncadd.s32 $0xFFFFFF80  }
.Ltmp2:
0x117: {  	s22 =	sor.u32 $0x1C03, s30;
	[bflag:$0x0] =	sbarrier.arrive $0xFFFF;
	(pc) =	sbr.rel @p1 .LBB2_1-.Ltmp2, $4  }
0x118: {  	[hbm:s11], [sflag:s22] =	dma.local [spmem:s31], $0x310  }
0x119: {  	_ =	swait.ge [sflag:s16], $0x310  }
0x11a: {  	[sflag:s16] =	ssyncset.done $0x0  }
0x11b: {  	[sflag:s16] =	ssyncadd.s32 $0xFFFFFCF0  }
0x11c: {  	_ =	sfence.sel $0x180000  }
0x11d: {  	[bflag:$0x0] =	sbarrier.arrive $0xFFFF  }
0x11e: {  	p0 =	sne.s32 s1, $0x0;
	_ =	strace $0x90000047  }
0x11f: {  	s0 =	sadd.s32 @!p0 $0x100000, s0;
	[bflag:$0x2] =	sbarrier.arrive $0xFFFF  }
0x120: {  	[sflag:s0] =	ssyncadd.tile.s32 @!p0 $0x1;
	_ =	shalt  }
.Lfunc_end2:
_tile_overlayer_lowered:
.L_overlay_start_2:
0x121: {  	(tag) =	ssettag $0x2  }
0x122: {  	s0 =	rddreg [dreg:$0x0];
	s2 =	stileid.u32  }
0x123: {  	s1 =	rddreg [dreg:$0x1];
	p0 =	sne.s32 s2, $0x0  }
0x124: {  	s3 =	rddreg [dreg:$0x2];
	[bflag:$0x3] =	sbarrier.arrive $0xFFFF;
	s2 =	simm.s32 @!p0 $0x1C03  }
0x125: {  	[timem:s3], [sflag:s2] =	dma.local @!p0 [hbm:s0], s1  }
0x126: {  	s0 =	simm.s32 @!p0 $0x3  }
0x127: {  	_ =	swait.ge @!p0 [sflag:s0], s1  }
0x128: {  	s1 =	ssub.s32 @!p0 $0x0, s1;
	[sflag:s0] =	ssyncset.done @!p0 $0x0  }
0x129: {  	[sflag:s0] =	ssyncadd.s32 @!p0 s1  }
0x12a: {  	[bflag:$0x3] =	sbarrier.arrive $0xFFFF  }
0x12b: {  	_ =	shalt  }

</sc_bundles>
